<compile_context>
chip_gen: v7x
topology: tpu7x:2x2x1
jax: 0.10.2.dev20260603
libtpu: 0.0.44.dev20260713+nightly
codegen_flags: <defaults>
</compile_context>

<pallas_src>
import dataclasses
import functools

import jax
import jax.numpy as jnp
import numpy as np
from jax import lax
from jax.experimental import pallas as pl
from jax.experimental.pallas import tpu as pltpu
from jax.experimental.pallas import tpu_sc as plsc

N = 10000
D = 128
NC = 2
NS = 16
NW = NC * NS
CH = 128
N_PAD = 10112
ROWS_PER_TILE = N_PAD // NS

_PC = np.empty((D,), np.int32)
for _g in range(D // 32):
    for _l in range(16):
        _PC[32 * _g + 2 * _l] = 32 * _g + _l
        _PC[32 * _g + 2 * _l + 1] = 32 * _g + 16 + _l


def _mm_body(x_ref, wt_ref, b_ref, o_ref):
    o_ref[...] = (
        jnp.dot(x_ref[...], wt_ref[...], preferred_element_type=jnp.float32)
        + b_ref[...]
    )


def _linear(x, Wt, b2d):
    m = x.shape[0]
    bm = 2000
    return pl.pallas_call(
        _mm_body,
        grid=(m // bm,),
        in_specs=[
            pl.BlockSpec((bm, D), lambda i: (i, 0)),
            pl.BlockSpec((D, D), lambda i: (0, 0)),
            pl.BlockSpec((1, D), lambda i: (0, 0)),
        ],
        out_specs=pl.BlockSpec((bm, D), lambda i: (i, 0)),
        out_shape=jax.ShapeDtypeStruct((m, D), jnp.float32),
    )(x, Wt, b2d)


def _add_body(a_ref, b_ref, o_ref):
    o_ref[...] = a_ref[...] + b_ref[...]


def _pair_add(a, b):
    bm = 2000
    return pl.pallas_call(
        _add_body,
        grid=(N // bm,),
        in_specs=[
            pl.BlockSpec((bm, D), lambda i: (i, 0)),
            pl.BlockSpec((bm, D), lambda i: (i, 0)),
        ],
        out_specs=pl.BlockSpec((bm, D), lambda i: (i, 0)),
        out_shape=jax.ShapeDtypeStruct((N, D), jnp.float32),
    )(a, b)


def _sc_aggregate(h, packed, chunks_per_tile):
    mesh = plsc.VectorSubcoreMesh(core_axis_name="c", subcore_axis_name="s")
    cp = pltpu.CompilerParams()
    if "needs_layout_passes" in pltpu.CompilerParams.__dataclass_fields__:
        cp = dataclasses.replace(cp, needs_layout_passes=False)

    @functools.partial(
        pl.kernel,
        out_type=jax.ShapeDtypeStruct((NC, N_PAD, D), jnp.float32),
        mesh=mesh,
        compiler_params=cp,
        scratch_types=[
            pltpu.VMEM((3, CH), jnp.int32),
            pltpu.VMEM((3, CH), jnp.int32),
            pltpu.VMEM((CH, D), jnp.float32),
            pltpu.VMEM((CH, D), jnp.float32),
            pltpu.VMEM((CH,), jnp.int32),
            pltpu.VMEM((CH,), jnp.int32),
            pltpu.VMEM_SHARED((N_PAD, D), jnp.float32),
            pltpu.SemaphoreType.DMA,
            pltpu.SemaphoreType.DMA,
            pltpu.SemaphoreType.DMA,
            pltpu.SemaphoreType.DMA,
            pltpu.SemaphoreType.DMA,
            pltpu.SemaphoreType.DMA,
        ],
    )
    def k(h_hbm, pk_hbm, out_hbm, pk0, pk1, rows0, rows1,
          dstc0, dstc1, acc, isem0, isem1, gsem0, gsem1, ssem0, ssem1):
        cid = lax.axis_index("c")
        sid = lax.axis_index("s")
        wid = sid * NC + cid

        zero16 = jnp.zeros((16,), jnp.float32)

        @pl.loop(0, CH)
        def _(r):
            for j in range(D // 16):
                rows0[r, pl.ds(j * 16, 16)] = zero16

        base_row = sid * ROWS_PER_TILE
        off = 0
        while off < ROWS_PER_TILE:
            span = min(CH, ROWS_PER_TILE - off)
            pltpu.sync_copy(
                rows0.at[pl.ds(0, span)],
                acc.at[pl.ds(base_row + off, span)],
            )
            off += span
        plsc.subcore_barrier()

        chunk0 = wid * chunks_per_tile
        pks = (pk0, pk1)
        rows = (rows0, rows1)
        dstcs = (dstc0, dstc1)
        isems = (isem0, isem1)
        gsems = (gsem0, gsem1)
        ssems = (ssem0, ssem1)

        def scale_rows(rv, pkv):
            @plsc.parallel_loop(0, CH, unroll=4)
            def _(e):
                ev = jnp.full((16,), e, jnp.int32)
                two = jnp.full((16,), 2, jnp.int32)
                wvec = plsc.bitcast(
                    plsc.load_gather(pkv, [two, ev]), jnp.float32)
                for j in range(D // 16):
                    sl = pl.ds(j * 16, 16)
                    rv[e, sl] = rv[e, sl] * wvec

        def start_gather(q):
            for half in range(2):
                pltpu.async_copy(
                    h_hbm.at[pks[q].at[0, pl.ds(half * 64, 64)]],
                    rows[q].at[pl.ds(half * 64, 64)],
                    gsems[q])

        pltpu.async_copy(pk_hbm.at[chunk0], pk0, isem0)
        pltpu.async_copy(pk_hbm.at[chunk0 + 1], pk1, isem1)
        pltpu.make_async_copy(pk_hbm.at[chunk0], pk0, isem0).wait()
        start_gather(0)

        @pl.loop(0, chunks_per_tile, step=2)
        def _(ci):
            for p in range(2):
                q = 1 - p
                pltpu.make_async_copy(pk_hbm.at[chunk0], pks[q], isems[q]).wait()
                if p == 0:
                    @pl.when(ci > 0)
                    def _():
                        pltpu.make_async_copy(
                            rows[q], acc.at[dstcs[q]], ssems[q]).wait()
                else:
                    pltpu.make_async_copy(
                        rows[q], acc.at[dstcs[q]], ssems[q]).wait()
                start_gather(q)
                pltpu.make_async_copy(
                    h_hbm.at[pl.ds(0, CH)], rows[p], gsems[p]).wait()
                scale_rows(rows[p], pks[p])
                for j in range(D // 16):
                    sl = pl.ds(j * 16, 16)
                    dstcs[p][sl] = pks[p][1, sl]
                pltpu.async_copy(rows[p], acc.at[dstcs[p]], ssems[p], add=True)
                pltpu.async_copy(pk_hbm.at[chunk0 + ci + p + 2], pks[p], isems[p])

        pltpu.make_async_copy(h_hbm.at[pl.ds(0, CH)], rows0, gsem0).wait()
        pltpu.make_async_copy(pk_hbm.at[chunk0], pk1, isem1).wait()
        pltpu.make_async_copy(rows1, acc.at[dstc1], ssem1).wait()

        plsc.subcore_barrier()
        pltpu.sync_copy(
            acc.at[pl.ds(base_row, ROWS_PER_TILE)],
            out_hbm.at[cid, pl.ds(base_row, ROWS_PER_TILE)],
        )

    return k(h, packed)


def kernel(x, edge_index, edge_weight, W, b):
    src = edge_index[0].astype(jnp.int32)
    dst = edge_index[1].astype(jnp.int32)
    w = edge_weight.astype(jnp.float32)

    e = src.shape[0]
    grain = NW * CH * 2
    e_pad = ((e + grain - 1) // grain) * grain
    tail = e_pad + 2 * CH
    pad = tail - e
    spread = jnp.arange(pad, dtype=jnp.int32) % N
    src = jnp.concatenate([src, spread])
    dst = jnp.concatenate([dst, spread])
    w = jnp.concatenate([w, jnp.zeros((pad,), jnp.float32)])
    wi = jax.lax.bitcast_convert_type(w, jnp.int32)
    packed = jnp.stack([src, dst, wi], axis=0)
    packed = packed.reshape(3, tail // CH, CH).transpose(1, 0, 2)

    h = _linear(x, W.T, b.reshape(1, D))
    part = _sc_aggregate(h, packed, e_pad // (NW * CH))
    return _pair_add(part[0, :N], part[1, :N])

# --- scband reference (transcript-rebuilt; emitter-appended) ---
"""Pipeline reference for scband-gcnconv-dgl-attn-28192165331245 (READ-ONLY COPY).

The authoritative reference and input builder live on the scoring server;
editing this copy changes nothing except your own understanding.
"""

import jax, jax.numpy as jnp
import numpy as np

N_NODES = 10000
N_EDGES = 320000
D_IN = 128
D_OUT = 128

def setup_inputs(seed: int = 0) -> dict:
    key = jax.random.key(seed)
    k1, k2, k3, k4, k5 = jax.random.split(key, 5)
    x = jax.random.normal(k1, (N_NODES, D_IN), dtype=jnp.float32)
    edge_index = jax.random.randint(k2, (2, N_EDGES), 0, N_NODES, dtype=jnp.int64)
    edge_weight = jax.random.uniform(k3, (N_EDGES,), dtype=jnp.float32)
    # Linear layer params (torch.nn.Linear: y = x @ W.T + b)
    bound = 1.0 / np.sqrt(D_IN)
    W = jax.random.uniform(k4, (D_OUT, D_IN), minval=-bound, maxval=bound, dtype=jnp.float32)
    b = jax.random.uniform(k5, (D_OUT,), minval=-bound, maxval=bound, dtype=jnp.float32)
    return {"x": x, "edge_index": edge_index, "edge_weight": edge_weight, "W": W, "b": b}

def reference(x, edge_index, edge_weight, W, b):
    # h = linear(x)
    h = x @ W.T + b
    src = edge_index[0]
    dst = edge_index[1]
    # DGL update_all(u_mul_e('h','w','m'), sum('m','h')):
    # message on each edge = h[src] * w_edge; aggregate by sum into dst node
    m = h[src] * edge_weight[:, None]
    out = jax.ops.segment_sum(m, dst, num_segments=N_NODES)
    return out

if __name__ == "__main__":
    import jax
    _d = setup_inputs()
    print(jax.jit(kernel)(*tuple(_d.values())))

</pallas_src>

<mosaic_0001>
#map = affine_map<(d0, d1) -> (0, 0)>
#map1 = affine_map<(d0, d1) -> (0, 0, 0)>
module attributes {stable_mosaic.version = 14 : i64} {
  func.func @k(%arg0: i32, %arg1: i32, %arg2: memref<10000x128xf32, #tpu.memory_space<hbm>>, %arg3: memref<2562x3x128xi32, #tpu.memory_space<hbm>>, %arg4: memref<2x10112x128xf32, #tpu.memory_space<hbm>>, %arg5: memref<3x128xi32, #tpu.memory_space<vmem>>, %arg6: memref<3x128xi32, #tpu.memory_space<vmem>>, %arg7: memref<128x128xf32, #tpu.memory_space<vmem>>, %arg8: memref<128x128xf32, #tpu.memory_space<vmem>>, %arg9: memref<128xi32, #tpu.memory_space<vmem>>, %arg10: memref<128xi32, #tpu.memory_space<vmem>>, %arg11: memref<10112x128xf32, #tpu.memory_space<vmem_shared>>, %arg12: memref<!tpu.dma_semaphore, #tpu.memory_space<semaphore_mem>>, %arg13: memref<!tpu.dma_semaphore, #tpu.memory_space<semaphore_mem>>, %arg14: memref<!tpu.dma_semaphore, #tpu.memory_space<semaphore_mem>>, %arg15: memref<!tpu.dma_semaphore, #tpu.memory_space<semaphore_mem>>, %arg16: memref<!tpu.dma_semaphore, #tpu.memory_space<semaphore_mem>>, %arg17: memref<!tpu.dma_semaphore, #tpu.memory_space<semaphore_mem>>) attributes {dimension_semantics = [#tpu.dimension_semantics<core_parallel>, #tpu.dimension_semantics<subcore_parallel>], iteration_bounds = array<i64: 2, 16>, scalar_prefetch = 0 : i64, scratch_operands = 13 : i64, tpu.core_type = #tpu.core_type<sc_vector_subcore>, window_params = [{transform_indices = #map}, {transform_indices = #map1}, {transform_indices = #map1}]} {
    %mul3A = arith.constant 2 : i32
    %mul3A_0 = arith.muli %arg1, %mul3A : i32
    %add3A = arith.addi %mul3A_0, %arg0 : i32
    %broadcast_in_dim3A = arith.constant 0.000000e+00 : f32
    %broadcast_in_dim3A_1 = vector.broadcast %broadcast_in_dim3A : f32 to vector<16xf32>
    %scan3A = arith.constant 0 : i32
    %scan3A_2 = arith.constant 128 : i32
    %scan3A_3 = arith.addi %scan3A, %scan3A_2 : i32
    %scan3A_4 = arith.constant 1 : i32
    scf.for %scan3A_87 = %scan3A to %scan3A_3 step %scan3A_4  : i32 {
      %mul3A_88 = arith.constant 1 : i32
      %mul3A_89 = arith.muli %scan3A_87, %mul3A_88 : i32
      %add3A_90 = arith.constant 0 : i32
      %add3A_91 = arith.addi %add3A_90, %mul3A_89 : i32
      %swap3A = arith.index_cast %add3A_91 : i32 to index
      %swap3A_92 = arith.constant 0 : index
      %swap3A_93 = tpu.vector_load %arg7[%swap3A, %swap3A_92] {strides = array<i32>} : memref<128x128xf32, #tpu.memory_space<vmem>>, vector<16xf32>,
      tpu.vector_store %arg7[%swap3A, %swap3A_92], %broadcast_in_dim3A_1 {strides = array<i32>} : memref<128x128xf32, #tpu.memory_space<vmem>>, vector<16xf32>,
      %swap3A_94 = arith.index_cast %add3A_91 : i32 to index
      %swap3A_95 = arith.constant 16 : index
      %swap3A_96 = tpu.vector_load %arg7[%swap3A_94, %swap3A_95] {strides = array<i32>} : memref<128x128xf32, #tpu.memory_space<vmem>>, vector<16xf32>,
      tpu.vector_store %arg7[%swap3A_94, %swap3A_95], %broadcast_in_dim3A_1 {strides = array<i32>} : memref<128x128xf32, #tpu.memory_space<vmem>>, vector<16xf32>,
      %swap3A_97 = arith.index_cast %add3A_91 : i32 to index
      %swap3A_98 = arith.constant 32 : index
      %swap3A_99 = tpu.vector_load %arg7[%swap3A_97, %swap3A_98] {strides = array<i32>} : memref<128x128xf32, #tpu.memory_space<vmem>>, vector<16xf32>,
      tpu.vector_store %arg7[%swap3A_97, %swap3A_98], %broadcast_in_dim3A_1 {strides = array<i32>} : memref<128x128xf32, #tpu.memory_space<vmem>>, vector<16xf32>,
      %swap3A_100 = arith.index_cast %add3A_91 : i32 to index
      %swap3A_101 = arith.constant 48 : index
      %swap3A_102 = tpu.vector_load %arg7[%swap3A_100, %swap3A_101] {strides = array<i32>} : memref<128x128xf32, #tpu.memory_space<vmem>>, vector<16xf32>,
      tpu.vector_store %arg7[%swap3A_100, %swap3A_101], %broadcast_in_dim3A_1 {strides = array<i32>} : memref<128x128xf32, #tpu.memory_space<vmem>>, vector<16xf32>,
      %swap3A_103 = arith.index_cast %add3A_91 : i32 to index
      %swap3A_104 = arith.constant 64 : index
      %swap3A_105 = tpu.vector_load %arg7[%swap3A_103, %swap3A_104] {strides = array<i32>} : memref<128x128xf32, #tpu.memory_space<vmem>>, vector<16xf32>,
      tpu.vector_store %arg7[%swap3A_103, %swap3A_104], %broadcast_in_dim3A_1 {strides = array<i32>} : memref<128x128xf32, #tpu.memory_space<vmem>>, vector<16xf32>,
      %swap3A_106 = arith.index_cast %add3A_91 : i32 to index
      %swap3A_107 = arith.constant 80 : index
      %swap3A_108 = tpu.vector_load %arg7[%swap3A_106, %swap3A_107] {strides = array<i32>} : memref<128x128xf32, #tpu.memory_space<vmem>>, vector<16xf32>,
      tpu.vector_store %arg7[%swap3A_106, %swap3A_107], %broadcast_in_dim3A_1 {strides = array<i32>} : memref<128x128xf32, #tpu.memory_space<vmem>>, vector<16xf32>,
      %swap3A_109 = arith.index_cast %add3A_91 : i32 to index
      %swap3A_110 = arith.constant 96 : index
      %swap3A_111 = tpu.vector_load %arg7[%swap3A_109, %swap3A_110] {strides = array<i32>} : memref<128x128xf32, #tpu.memory_space<vmem>>, vector<16xf32>,
      tpu.vector_store %arg7[%swap3A_109, %swap3A_110], %broadcast_in_dim3A_1 {strides = array<i32>} : memref<128x128xf32, #tpu.memory_space<vmem>>, vector<16xf32>,
      %swap3A_112 = arith.index_cast %add3A_91 : i32 to index
      %swap3A_113 = arith.constant 112 : index
      %swap3A_114 = tpu.vector_load %arg7[%swap3A_112, %swap3A_113] {strides = array<i32>} : memref<128x128xf32, #tpu.memory_space<vmem>>, vector<16xf32>,
      tpu.vector_store %arg7[%swap3A_112, %swap3A_113], %broadcast_in_dim3A_1 {strides = array<i32>} : memref<128x128xf32, #tpu.memory_space<vmem>>, vector<16xf32>,
    }
    %scan3A_5 = arith.constant 128 : i32
    %mul3A_6 = arith.constant 632 : i32
    %mul3A_7 = arith.muli %arg1, %mul3A_6 : i32
    %add3A_8 = arith.constant 0 : i32
    %add3A_9 = arith.addi %mul3A_7, %add3A_8 : i32
    "tpu.region"() ({
      %run_scoped3A = tpu.sem_alloc : memref<!tpu.dma_semaphore, #tpu.memory_space<semaphore_mem>>
      %dma_start3A_87 = arith.constant 0 : i32
      %dma_start3A_88 = arith.constant 0 : i32
      %dma_start3A_89 = tpu.memref_slice %arg7[%dma_start3A_87, %dma_start3A_88] : memref<128x128xf32, #tpu.memory_space<vmem>> -> memref<128x128xf32, #tpu.memory_space<vmem>>
      %dma_start3A_90 = arith.constant 0 : i32
      %dma_start3A_91 = tpu.memref_slice %arg11[%add3A_9, %dma_start3A_90] : memref<10112x128xf32, #tpu.memory_space<vmem_shared>> -> memref<128x128xf32, #tpu.memory_space<vmem_shared>>
      %dma_start3A_92 = arith.constant 0 : i32
      %dma_start3A_93 = tpu.memref_slice %arg11[%add3A_9, %dma_start3A_92] : memref<10112x128xf32, #tpu.memory_space<vmem_shared>> -> memref<128x128xf32, #tpu.memory_space<vmem_shared>>
      %dma_start3A_94 = arith.constant 0 : i32
      %dma_start3A_95 = arith.constant 0 : i32
      %dma_start3A_96 = tpu.memref_slice %arg7[%dma_start3A_94, %dma_start3A_95] : memref<128x128xf32, #tpu.memory_space<vmem>> -> memref<128x128xf32, #tpu.memory_space<vmem>>
      tpu.enqueue_dma source(%dma_start3A_96 : memref<128x128xf32, #tpu.memory_space<vmem>>) target(%dma_start3A_93 : memref<128x128xf32, #tpu.memory_space<vmem_shared>>) target_semaphore(%run_scoped3A : memref<!tpu.dma_semaphore, #tpu.memory_space<semaphore_mem>>)
      %dma_wait3A_97 = arith.constant 0 : i32
      %dma_wait3A_98 = arith.constant 0 : i32
      %dma_wait3A_99 = tpu.memref_slice %arg7[%dma_wait3A_97, %dma_wait3A_98] : memref<128x128xf32, #tpu.memory_space<vmem>> -> memref<128x128xf32, #tpu.memory_space<vmem>>
      %dma_wait3A_100 = arith.constant 0 : i32
      %dma_wait3A_101 = tpu.memref_slice %arg11[%add3A_9, %dma_wait3A_100] : memref<10112x128xf32, #tpu.memory_space<vmem_shared>> -> memref<128x128xf32, #tpu.memory_space<vmem_shared>>
      %dma_wait3A_102 = arith.constant 0 : i32
      %dma_wait3A_103 = tpu.memref_slice %arg11[%add3A_9, %dma_wait3A_102] : memref<10112x128xf32, #tpu.memory_space<vmem_shared>> -> memref<128x128xf32, #tpu.memory_space<vmem_shared>>
      %dma_wait3A_104 = arith.constant 0 : i32
      %dma_wait3A_105 = arith.constant 0 : i32
      %dma_wait3A_106 = tpu.memref_slice %arg7[%dma_wait3A_104, %dma_wait3A_105] : memref<128x128xf32, #tpu.memory_space<vmem>> -> memref<128x128xf32, #tpu.memory_space<vmem>>
      tpu.wait_dma2 semaphore(%run_scoped3A : memref<!tpu.dma_semaphore, #tpu.memory_space<semaphore_mem>>) src(%dma_wait3A_106 : memref<128x128xf32, #tpu.memory_space<vmem>>) dst(%dma_wait3A_103 : memref<128x128xf32, #tpu.memory_space<vmem_shared>>)
      tpu.yield
    }) : () -> ()
    %add3A_10 = arith.constant 128 : i32
    %add3A_11 = arith.addi %mul3A_7, %add3A_10 : i32
    "tpu.region"() ({
      %run_scoped3A = tpu.sem_alloc : memref<!tpu.dma_semaphore, #tpu.memory_space<semaphore_mem>>
      %dma_start3A_87 = arith.constant 0 : i32
      %dma_start3A_88 = arith.constant 0 : i32
      %dma_start3A_89 = tpu.memref_slice %arg7[%dma_start3A_87, %dma_start3A_88] : memref<128x128xf32, #tpu.memory_space<vmem>> -> memref<128x128xf32, #tpu.memory_space<vmem>>
      %dma_start3A_90 = arith.constant 0 : i32
      %dma_start3A_91 = tpu.memref_slice %arg11[%add3A_11, %dma_start3A_90] : memref<10112x128xf32, #tpu.memory_space<vmem_shared>> -> memref<128x128xf32, #tpu.memory_space<vmem_shared>>
      %dma_start3A_92 = arith.constant 0 : i32
      %dma_start3A_93 = tpu.memref_slice %arg11[%add3A_11, %dma_start3A_92] : memref<10112x128xf32, #tpu.memory_space<vmem_shared>> -> memref<128x128xf32, #tpu.memory_space<vmem_shared>>
      %dma_start3A_94 = arith.constant 0 : i32
      %dma_start3A_95 = arith.constant 0 : i32
      %dma_start3A_96 = tpu.memref_slice %arg7[%dma_start3A_94, %dma_start3A_95] : memref<128x128xf32, #tpu.memory_space<vmem>> -> memref<128x128xf32, #tpu.memory_space<vmem>>
      tpu.enqueue_dma source(%dma_start3A_96 : memref<128x128xf32, #tpu.memory_space<vmem>>) target(%dma_start3A_93 : memref<128x128xf32, #tpu.memory_space<vmem_shared>>) target_semaphore(%run_scoped3A : memref<!tpu.dma_semaphore, #tpu.memory_space<semaphore_mem>>)
      %dma_wait3A_97 = arith.constant 0 : i32
      %dma_wait3A_98 = arith.constant 0 : i32
      %dma_wait3A_99 = tpu.memref_slice %arg7[%dma_wait3A_97, %dma_wait3A_98] : memref<128x128xf32, #tpu.memory_space<vmem>> -> memref<128x128xf32, #tpu.memory_space<vmem>>
      %dma_wait3A_100 = arith.constant 0 : i32
      %dma_wait3A_101 = tpu.memref_slice %arg11[%add3A_11, %dma_wait3A_100] : memref<10112x128xf32, #tpu.memory_space<vmem_shared>> -> memref<128x128xf32, #tpu.memory_space<vmem_shared>>
      %dma_wait3A_102 = arith.constant 0 : i32
      %dma_wait3A_103 = tpu.memref_slice %arg11[%add3A_11, %dma_wait3A_102] : memref<10112x128xf32, #tpu.memory_space<vmem_shared>> -> memref<128x128xf32, #tpu.memory_space<vmem_shared>>
      %dma_wait3A_104 = arith.constant 0 : i32
      %dma_wait3A_105 = arith.constant 0 : i32
      %dma_wait3A_106 = tpu.memref_slice %arg7[%dma_wait3A_104, %dma_wait3A_105] : memref<128x128xf32, #tpu.memory_space<vmem>> -> memref<128x128xf32, #tpu.memory_space<vmem>>
      tpu.wait_dma2 semaphore(%run_scoped3A : memref<!tpu.dma_semaphore, #tpu.memory_space<semaphore_mem>>) src(%dma_wait3A_106 : memref<128x128xf32, #tpu.memory_space<vmem>>) dst(%dma_wait3A_103 : memref<128x128xf32, #tpu.memory_space<vmem_shared>>)
      tpu.yield
    }) : () -> ()
    %add3A_12 = arith.constant 256 : i32
    %add3A_13 = arith.addi %mul3A_7, %add3A_12 : i32
    "tpu.region"() ({
      %run_scoped3A = tpu.sem_alloc : memref<!tpu.dma_semaphore, #tpu.memory_space<semaphore_mem>>
      %dma_start3A_87 = arith.constant 0 : i32
      %dma_start3A_88 = arith.constant 0 : i32
      %dma_start3A_89 = tpu.memref_slice %arg7[%dma_start3A_87, %dma_start3A_88] : memref<128x128xf32, #tpu.memory_space<vmem>> -> memref<128x128xf32, #tpu.memory_space<vmem>>
      %dma_start3A_90 = arith.constant 0 : i32
      %dma_start3A_91 = tpu.memref_slice %arg11[%add3A_13, %dma_start3A_90] : memref<10112x128xf32, #tpu.memory_space<vmem_shared>> -> memref<128x128xf32, #tpu.memory_space<vmem_shared>>
      %dma_start3A_92 = arith.constant 0 : i32
      %dma_start3A_93 = tpu.memref_slice %arg11[%add3A_13, %dma_start3A_92] : memref<10112x128xf32, #tpu.memory_space<vmem_shared>> -> memref<128x128xf32, #tpu.memory_space<vmem_shared>>
      %dma_start3A_94 = arith.constant 0 : i32
      %dma_start3A_95 = arith.constant 0 : i32
      %dma_start3A_96 = tpu.memref_slice %arg7[%dma_start3A_94, %dma_start3A_95] : memref<128x128xf32, #tpu.memory_space<vmem>> -> memref<128x128xf32, #tpu.memory_space<vmem>>
      tpu.enqueue_dma source(%dma_start3A_96 : memref<128x128xf32, #tpu.memory_space<vmem>>) target(%dma_start3A_93 : memref<128x128xf32, #tpu.memory_space<vmem_shared>>) target_semaphore(%run_scoped3A : memref<!tpu.dma_semaphore, #tpu.memory_space<semaphore_mem>>)
      %dma_wait3A_97 = arith.constant 0 : i32
      %dma_wait3A_98 = arith.constant 0 : i32
      %dma_wait3A_99 = tpu.memref_slice %arg7[%dma_wait3A_97, %dma_wait3A_98] : memref<128x128xf32, #tpu.memory_space<vmem>> -> memref<128x128xf32, #tpu.memory_space<vmem>>
      %dma_wait3A_100 = arith.constant 0 : i32
      %dma_wait3A_101 = tpu.memref_slice %arg11[%add3A_13, %dma_wait3A_100] : memref<10112x128xf32, #tpu.memory_space<vmem_shared>> -> memref<128x128xf32, #tpu.memory_space<vmem_shared>>
      %dma_wait3A_102 = arith.constant 0 : i32
      %dma_wait3A_103 = tpu.memref_slice %arg11[%add3A_13, %dma_wait3A_102] : memref<10112x128xf32, #tpu.memory_space<vmem_shared>> -> memref<128x128xf32, #tpu.memory_space<vmem_shared>>
      %dma_wait3A_104 = arith.constant 0 : i32
      %dma_wait3A_105 = arith.constant 0 : i32
      %dma_wait3A_106 = tpu.memref_slice %arg7[%dma_wait3A_104, %dma_wait3A_105] : memref<128x128xf32, #tpu.memory_space<vmem>> -> memref<128x128xf32, #tpu.memory_space<vmem>>
      tpu.wait_dma2 semaphore(%run_scoped3A : memref<!tpu.dma_semaphore, #tpu.memory_space<semaphore_mem>>) src(%dma_wait3A_106 : memref<128x128xf32, #tpu.memory_space<vmem>>) dst(%dma_wait3A_103 : memref<128x128xf32, #tpu.memory_space<vmem_shared>>)
      tpu.yield
    }) : () -> ()
    %add3A_14 = arith.constant 384 : i32
    %add3A_15 = arith.addi %mul3A_7, %add3A_14 : i32
    "tpu.region"() ({
      %run_scoped3A = tpu.sem_alloc : memref<!tpu.dma_semaphore, #tpu.memory_space<semaphore_mem>>
      %dma_start3A_87 = arith.constant 0 : i32
      %dma_start3A_88 = arith.constant 0 : i32
      %dma_start3A_89 = tpu.memref_slice %arg7[%dma_start3A_87, %dma_start3A_88] : memref<128x128xf32, #tpu.memory_space<vmem>> -> memref<128x128xf32, #tpu.memory_space<vmem>>
      %dma_start3A_90 = arith.constant 0 : i32
      %dma_start3A_91 = tpu.memref_slice %arg11[%add3A_15, %dma_start3A_90] : memref<10112x128xf32, #tpu.memory_space<vmem_shared>> -> memref<128x128xf32, #tpu.memory_space<vmem_shared>>
      %dma_start3A_92 = arith.constant 0 : i32
      %dma_start3A_93 = tpu.memref_slice %arg11[%add3A_15, %dma_start3A_92] : memref<10112x128xf32, #tpu.memory_space<vmem_shared>> -> memref<128x128xf32, #tpu.memory_space<vmem_shared>>
      %dma_start3A_94 = arith.constant 0 : i32
      %dma_start3A_95 = arith.constant 0 : i32
      %dma_start3A_96 = tpu.memref_slice %arg7[%dma_start3A_94, %dma_start3A_95] : memref<128x128xf32, #tpu.memory_space<vmem>> -> memref<128x128xf32, #tpu.memory_space<vmem>>
      tpu.enqueue_dma source(%dma_start3A_96 : memref<128x128xf32, #tpu.memory_space<vmem>>) target(%dma_start3A_93 : memref<128x128xf32, #tpu.memory_space<vmem_shared>>) target_semaphore(%run_scoped3A : memref<!tpu.dma_semaphore, #tpu.memory_space<semaphore_mem>>)
      %dma_wait3A_97 = arith.constant 0 : i32
      %dma_wait3A_98 = arith.constant 0 : i32
      %dma_wait3A_99 = tpu.memref_slice %arg7[%dma_wait3A_97, %dma_wait3A_98] : memref<128x128xf32, #tpu.memory_space<vmem>> -> memref<128x128xf32, #tpu.memory_space<vmem>>
      %dma_wait3A_100 = arith.constant 0 : i32
      %dma_wait3A_101 = tpu.memref_slice %arg11[%add3A_15, %dma_wait3A_100] : memref<10112x128xf32, #tpu.memory_space<vmem_shared>> -> memref<128x128xf32, #tpu.memory_space<vmem_shared>>
      %dma_wait3A_102 = arith.constant 0 : i32
      %dma_wait3A_103 = tpu.memref_slice %arg11[%add3A_15, %dma_wait3A_102] : memref<10112x128xf32, #tpu.memory_space<vmem_shared>> -> memref<128x128xf32, #tpu.memory_space<vmem_shared>>
      %dma_wait3A_104 = arith.constant 0 : i32
      %dma_wait3A_105 = arith.constant 0 : i32
      %dma_wait3A_106 = tpu.memref_slice %arg7[%dma_wait3A_104, %dma_wait3A_105] : memref<128x128xf32, #tpu.memory_space<vmem>> -> memref<128x128xf32, #tpu.memory_space<vmem>>
      tpu.wait_dma2 semaphore(%run_scoped3A : memref<!tpu.dma_semaphore, #tpu.memory_space<semaphore_mem>>) src(%dma_wait3A_106 : memref<128x128xf32, #tpu.memory_space<vmem>>) dst(%dma_wait3A_103 : memref<128x128xf32, #tpu.memory_space<vmem_shared>>)
      tpu.yield
    }) : () -> ()
    %add3A_16 = arith.constant 512 : i32
    %add3A_17 = arith.addi %mul3A_7, %add3A_16 : i32
    "tpu.region"() ({
      %run_scoped3A = tpu.sem_alloc : memref<!tpu.dma_semaphore, #tpu.memory_space<semaphore_mem>>
      %dma_start3A_87 = arith.constant 0 : i32
      %dma_start3A_88 = arith.constant 0 : i32
      %dma_start3A_89 = tpu.memref_slice %arg7[%dma_start3A_87, %dma_start3A_88] : memref<128x128xf32, #tpu.memory_space<vmem>> -> memref<120x128xf32, #tpu.memory_space<vmem>>
      %dma_start3A_90 = arith.constant 0 : i32
      %dma_start3A_91 = tpu.memref_slice %arg11[%add3A_17, %dma_start3A_90] : memref<10112x128xf32, #tpu.memory_space<vmem_shared>> -> memref<120x128xf32, #tpu.memory_space<vmem_shared>>
      %dma_start3A_92 = arith.constant 0 : i32
      %dma_start3A_93 = tpu.memref_slice %arg11[%add3A_17, %dma_start3A_92] : memref<10112x128xf32, #tpu.memory_space<vmem_shared>> -> memref<120x128xf32, #tpu.memory_space<vmem_shared>>
      %dma_start3A_94 = arith.constant 0 : i32
      %dma_start3A_95 = arith.constant 0 : i32
      %dma_start3A_96 = tpu.memref_slice %arg7[%dma_start3A_94, %dma_start3A_95] : memref<128x128xf32, #tpu.memory_space<vmem>> -> memref<120x128xf32, #tpu.memory_space<vmem>>
      tpu.enqueue_dma source(%dma_start3A_96 : memref<120x128xf32, #tpu.memory_space<vmem>>) target(%dma_start3A_93 : memref<120x128xf32, #tpu.memory_space<vmem_shared>>) target_semaphore(%run_scoped3A : memref<!tpu.dma_semaphore, #tpu.memory_space<semaphore_mem>>)
      %dma_wait3A_97 = arith.constant 0 : i32
      %dma_wait3A_98 = arith.constant 0 : i32
      %dma_wait3A_99 = tpu.memref_slice %arg7[%dma_wait3A_97, %dma_wait3A_98] : memref<128x128xf32, #tpu.memory_space<vmem>> -> memref<120x128xf32, #tpu.memory_space<vmem>>
      %dma_wait3A_100 = arith.constant 0 : i32
      %dma_wait3A_101 = tpu.memref_slice %arg11[%add3A_17, %dma_wait3A_100] : memref<10112x128xf32, #tpu.memory_space<vmem_shared>> -> memref<120x128xf32, #tpu.memory_space<vmem_shared>>
      %dma_wait3A_102 = arith.constant 0 : i32
      %dma_wait3A_103 = tpu.memref_slice %arg11[%add3A_17, %dma_wait3A_102] : memref<10112x128xf32, #tpu.memory_space<vmem_shared>> -> memref<120x128xf32, #tpu.memory_space<vmem_shared>>
      %dma_wait3A_104 = arith.constant 0 : i32
      %dma_wait3A_105 = arith.constant 0 : i32
      %dma_wait3A_106 = tpu.memref_slice %arg7[%dma_wait3A_104, %dma_wait3A_105] : memref<128x128xf32, #tpu.memory_space<vmem>> -> memref<120x128xf32, #tpu.memory_space<vmem>>
      tpu.wait_dma2 semaphore(%run_scoped3A : memref<!tpu.dma_semaphore, #tpu.memory_space<semaphore_mem>>) src(%dma_wait3A_106 : memref<120x128xf32, #tpu.memory_space<vmem>>) dst(%dma_wait3A_103 : memref<120x128xf32, #tpu.memory_space<vmem_shared>>)
      tpu.yield
    }) : () -> ()
    %barrier3A = arith.constant 0 : index
    tpu.barrier barrier_id(%barrier3A)
    %mul3A_18 = arith.constant 80 : i32
    %mul3A_19 = arith.muli %add3A, %mul3A_18 : i32
    %dma_start3A = arith.constant 0 : i32
    %dma_start3A_20 = arith.constant 0 : i32
    %dma_start3A_21 = tpu.memref_slice %arg3[%mul3A_19, %dma_start3A, %dma_start3A_20] : memref<2562x3x128xi32, #tpu.memory_space<hbm>> -> memref<1x3x128xi32, #tpu.memory_space<hbm>>
    %dma_start3A_22 = tpu.memref_squeeze %dma_start3A_21 : memref<1x3x128xi32, #tpu.memory_space<hbm>> -> memref<3x128xi32, #tpu.memory_space<hbm>>
    %dma_start3A_23 = arith.constant 0 : i32
    %dma_start3A_24 = arith.constant 0 : i32
    %dma_start3A_25 = tpu.memref_slice %arg3[%mul3A_19, %dma_start3A_23, %dma_start3A_24] : memref<2562x3x128xi32, #tpu.memory_space<hbm>> -> memref<1x3x128xi32, #tpu.memory_space<hbm>>
    %dma_start3A_26 = tpu.memref_squeeze %dma_start3A_25 : memref<1x3x128xi32, #tpu.memory_space<hbm>> -> memref<3x128xi32, #tpu.memory_space<hbm>>
    tpu.enqueue_dma source(%dma_start3A_26 : memref<3x128xi32, #tpu.memory_space<hbm>>) target(%arg5 : memref<3x128xi32, #tpu.memory_space<vmem>>) target_semaphore(%arg12 : memref<!tpu.dma_semaphore, #tpu.memory_space<semaphore_mem>>)
    %add3A_27 = arith.constant 1 : i32
    %add3A_28 = arith.addi %mul3A_19, %add3A_27 : i32
    %dma_start3A_29 = arith.constant 0 : i32
    %dma_start3A_30 = arith.constant 0 : i32
    %dma_start3A_31 = tpu.memref_slice %arg3[%add3A_28, %dma_start3A_29, %dma_start3A_30] : memref<2562x3x128xi32, #tpu.memory_space<hbm>> -> memref<1x3x128xi32, #tpu.memory_space<hbm>>
    %dma_start3A_32 = tpu.memref_squeeze %dma_start3A_31 : memref<1x3x128xi32, #tpu.memory_space<hbm>> -> memref<3x128xi32, #tpu.memory_space<hbm>>
    %dma_start3A_33 = arith.constant 0 : i32
    %dma_start3A_34 = arith.constant 0 : i32
    %dma_start3A_35 = tpu.memref_slice %arg3[%add3A_28, %dma_start3A_33, %dma_start3A_34] : memref<2562x3x128xi32, #tpu.memory_space<hbm>> -> memref<1x3x128xi32, #tpu.memory_space<hbm>>
    %dma_start3A_36 = tpu.memref_squeeze %dma_start3A_35 : memref<1x3x128xi32, #tpu.memory_space<hbm>> -> memref<3x128xi32, #tpu.memory_space<hbm>>
    tpu.enqueue_dma source(%dma_start3A_36 : memref<3x128xi32, #tpu.memory_space<hbm>>) target(%arg6 : memref<3x128xi32, #tpu.memory_space<vmem>>) target_semaphore(%arg13 : memref<!tpu.dma_semaphore, #tpu.memory_space<semaphore_mem>>)
    %dma_wait3A = arith.constant 0 : i32
    %dma_wait3A_37 = arith.constant 0 : i32
    %dma_wait3A_38 = tpu.memref_slice %arg3[%mul3A_19, %dma_wait3A, %dma_wait3A_37] : memref<2562x3x128xi32, #tpu.memory_space<hbm>> -> memref<1x3x128xi32, #tpu.memory_space<hbm>>
    %dma_wait3A_39 = tpu.memref_squeeze %dma_wait3A_38 : memref<1x3x128xi32, #tpu.memory_space<hbm>> -> memref<3x128xi32, #tpu.memory_space<hbm>>
    %dma_wait3A_40 = arith.constant 0 : i32
    %dma_wait3A_41 = arith.constant 0 : i32
    %dma_wait3A_42 = tpu.memref_slice %arg3[%mul3A_19, %dma_wait3A_40, %dma_wait3A_41] : memref<2562x3x128xi32, #tpu.memory_space<hbm>> -> memref<1x3x128xi32, #tpu.memory_space<hbm>>
    %dma_wait3A_43 = tpu.memref_squeeze %dma_wait3A_42 : memref<1x3x128xi32, #tpu.memory_space<hbm>> -> memref<3x128xi32, #tpu.memory_space<hbm>>
    tpu.wait_dma2 semaphore(%arg12 : memref<!tpu.dma_semaphore, #tpu.memory_space<semaphore_mem>>) src(%dma_wait3A_43 : memref<3x128xi32, #tpu.memory_space<hbm>>) dst(%arg5 : memref<3x128xi32, #tpu.memory_space<vmem>>)
    %dma_start3A_44 = arith.constant 0 : i32
    %dma_start3A_45 = arith.constant 0 : i32
    %dma_start3A_46 = arith.constant 0 : i32
    %dma_start3A_47 = tpu.memref_slice %arg7[%dma_start3A_45, %dma_start3A_46] : memref<128x128xf32, #tpu.memory_space<vmem>> -> memref<64x128xf32, #tpu.memory_space<vmem>>
    %dma_start3A_48 = arith.constant 0 : i32
    %dma_start3A_49 = tpu.memref_slice %arg5[%dma_start3A_44, %dma_start3A_48] : memref<3x128xi32, #tpu.memory_space<vmem>> -> memref<1x64xi32, #tpu.memory_space<vmem>>
    %dma_start3A_50 = tpu.memref_squeeze %dma_start3A_49 : memref<1x64xi32, #tpu.memory_space<vmem>> -> memref<64xi32, #tpu.memory_space<vmem>>
    %dma_start3A_51 = arith.constant 0 : i32
    %dma_start3A_52 = arith.constant 0 : i32
    %dma_start3A_53 = tpu.memref_slice %arg2[%dma_start3A_51, %dma_start3A_52] : memref<10000x128xf32, #tpu.memory_space<hbm>> -> memref<10000x128xf32, #tpu.memory_space<hbm>>
    tpu.enqueue_indirect_dma source(%dma_start3A_53 : memref<10000x128xf32, #tpu.memory_space<hbm>>) target(%dma_start3A_47 : memref<64x128xf32, #tpu.memory_space<vmem>>) offsets(%dma_start3A_50 : memref<64xi32, #tpu.memory_space<vmem>>) semaphore(%arg14 : memref<!tpu.dma_semaphore, #tpu.memory_space<semaphore_mem>>)
    %dma_start3A_54 = arith.constant 0 : i32
    %dma_start3A_55 = arith.constant 64 : i32
    %dma_start3A_56 = arith.constant 0 : i32
    %dma_start3A_57 = tpu.memref_slice %arg7[%dma_start3A_55, %dma_start3A_56] : memref<128x128xf32, #tpu.memory_space<vmem>> -> memref<64x128xf32, #tpu.memory_space<vmem>>
    %dma_start3A_58 = arith.constant 64 : i32
    %dma_start3A_59 = tpu.memref_slice %arg5[%dma_start3A_54, %dma_start3A_58] : memref<3x128xi32, #tpu.memory_space<vmem>> -> memref<1x64xi32, #tpu.memory_space<vmem>>
    %dma_start3A_60 = tpu.memref_squeeze %dma_start3A_59 : memref<1x64xi32, #tpu.memory_space<vmem>> -> memref<64xi32, #tpu.memory_space<vmem>>
    %dma_start3A_61 = arith.constant 0 : i32
    %dma_start3A_62 = arith.constant 0 : i32
    %dma_start3A_63 = tpu.memref_slice %arg2[%dma_start3A_61, %dma_start3A_62] : memref<10000x128xf32, #tpu.memory_space<hbm>> -> memref<10000x128xf32, #tpu.memory_space<hbm>>
    tpu.enqueue_indirect_dma source(%dma_start3A_63 : memref<10000x128xf32, #tpu.memory_space<hbm>>) target(%dma_start3A_57 : memref<64x128xf32, #tpu.memory_space<vmem>>) offsets(%dma_start3A_60 : memref<64xi32, #tpu.memory_space<vmem>>) semaphore(%arg14 : memref<!tpu.dma_semaphore, #tpu.memory_space<semaphore_mem>>)
    %scan3A_64 = arith.constant 0 : i32
    %scan3A_65 = arith.constant 40 : i32
    %scan3A_66 = arith.addi %scan3A_64, %scan3A_65 : i32
    %scan3A_67 = arith.constant 1 : i32
    scf.for %scan3A_87 = %scan3A_64 to %scan3A_66 step %scan3A_67  : i32 {
      %mul3A_88 = arith.constant 2 : i32
      %mul3A_89 = arith.muli %scan3A_87, %mul3A_88 : i32
      %add3A_90 = arith.constant 0 : i32
      %add3A_91 = arith.addi %add3A_90, %mul3A_89 : i32
      %dma_wait3A_92 = arith.constant 0 : i32
      %dma_wait3A_93 = arith.constant 0 : i32
      %dma_wait3A_94 = tpu.memref_slice %arg3[%mul3A_19, %dma_wait3A_92, %dma_wait3A_93] : memref<2562x3x128xi32, #tpu.memory_space<hbm>> -> memref<1x3x128xi32, #tpu.memory_space<hbm>>
      %dma_wait3A_95 = tpu.memref_squeeze %dma_wait3A_94 : memref<1x3x128xi32, #tpu.memory_space<hbm>> -> memref<3x128xi32, #tpu.memory_space<hbm>>
      %dma_wait3A_96 = arith.constant 0 : i32
      %dma_wait3A_97 = arith.constant 0 : i32
      %dma_wait3A_98 = tpu.memref_slice %arg3[%mul3A_19, %dma_wait3A_96, %dma_wait3A_97] : memref<2562x3x128xi32, #tpu.memory_space<hbm>> -> memref<1x3x128xi32, #tpu.memory_space<hbm>>
      %dma_wait3A_99 = tpu.memref_squeeze %dma_wait3A_98 : memref<1x3x128xi32, #tpu.memory_space<hbm>> -> memref<3x128xi32, #tpu.memory_space<hbm>>
      tpu.wait_dma2 semaphore(%arg13 : memref<!tpu.dma_semaphore, #tpu.memory_space<semaphore_mem>>) src(%dma_wait3A_99 : memref<3x128xi32, #tpu.memory_space<hbm>>) dst(%arg6 : memref<3x128xi32, #tpu.memory_space<vmem>>)
      %gt3A = arith.constant 0 : i32
      %gt3A_100 = arith.cmpi sgt, %add3A_91, %gt3A : i32
      %convert_element_type3A = arith.extui %gt3A_100 : i1 to i32
      %cond3A = arith.constant 0 : i32
      %cond3A_101 = arith.cmpi ne, %convert_element_type3A, %cond3A : i32
      scf.if %cond3A_101 {
        %dma_wait3A_296 = arith.constant 0 : i32
        %dma_wait3A_297 = arith.constant 0 : i32
        %dma_wait3A_298 = tpu.memref_slice %arg11[%dma_wait3A_296, %dma_wait3A_297] : memref<10112x128xf32, #tpu.memory_space<vmem_shared>> -> memref<10112x128xf32, #tpu.memory_space<vmem_shared>>
        tpu.wait_indirect_dma semaphore(%arg17 : memref<!tpu.dma_semaphore, #tpu.memory_space<semaphore_mem>>) src(%arg8 : memref<128x128xf32, #tpu.memory_space<vmem>>) dst(%dma_wait3A_298 : memref<10112x128xf32, #tpu.memory_space<vmem_shared>>)
      } else {
      }
      %dma_start3A_102 = arith.constant 0 : i32
      %dma_start3A_103 = arith.constant 0 : i32
      %dma_start3A_104 = arith.constant 0 : i32
      %dma_start3A_105 = tpu.memref_slice %arg8[%dma_start3A_103, %dma_start3A_104] : memref<128x128xf32, #tpu.memory_space<vmem>> -> memref<64x128xf32, #tpu.memory_space<vmem>>
      %dma_start3A_106 = arith.constant 0 : i32
      %dma_start3A_107 = tpu.memref_slice %arg6[%dma_start3A_102, %dma_start3A_106] : memref<3x128xi32, #tpu.memory_space<vmem>> -> memref<1x64xi32, #tpu.memory_space<vmem>>
      %dma_start3A_108 = tpu.memref_squeeze %dma_start3A_107 : memref<1x64xi32, #tpu.memory_space<vmem>> -> memref<64xi32, #tpu.memory_space<vmem>>
      %dma_start3A_109 = arith.constant 0 : i32
      %dma_start3A_110 = arith.constant 0 : i32
      %dma_start3A_111 = tpu.memref_slice %arg2[%dma_start3A_109, %dma_start3A_110] : memref<10000x128xf32, #tpu.memory_space<hbm>> -> memref<10000x128xf32, #tpu.memory_space<hbm>>
      tpu.enqueue_indirect_dma source(%dma_start3A_111 : memref<10000x128xf32, #tpu.memory_space<hbm>>) target(%dma_start3A_105 : memref<64x128xf32, #tpu.memory_space<vmem>>) offsets(%dma_start3A_108 : memref<64xi32, #tpu.memory_space<vmem>>) semaphore(%arg15 : memref<!tpu.dma_semaphore, #tpu.memory_space<semaphore_mem>>)
      %dma_start3A_112 = arith.constant 0 : i32
      %dma_start3A_113 = arith.constant 64 : i32
      %dma_start3A_114 = arith.constant 0 : i32
      %dma_start3A_115 = tpu.memref_slice %arg8[%dma_start3A_113, %dma_start3A_114] : memref<128x128xf32, #tpu.memory_space<vmem>> -> memref<64x128xf32, #tpu.memory_space<vmem>>
      %dma_start3A_116 = arith.constant 64 : i32
      %dma_start3A_117 = tpu.memref_slice %arg6[%dma_start3A_112, %dma_start3A_116] : memref<3x128xi32, #tpu.memory_space<vmem>> -> memref<1x64xi32, #tpu.memory_space<vmem>>
      %dma_start3A_118 = tpu.memref_squeeze %dma_start3A_117 : memref<1x64xi32, #tpu.memory_space<vmem>> -> memref<64xi32, #tpu.memory_space<vmem>>
      %dma_start3A_119 = arith.constant 0 : i32
      %dma_start3A_120 = arith.constant 0 : i32
      %dma_start3A_121 = tpu.memref_slice %arg2[%dma_start3A_119, %dma_start3A_120] : memref<10000x128xf32, #tpu.memory_space<hbm>> -> memref<10000x128xf32, #tpu.memory_space<hbm>>
      tpu.enqueue_indirect_dma source(%dma_start3A_121 : memref<10000x128xf32, #tpu.memory_space<hbm>>) target(%dma_start3A_115 : memref<64x128xf32, #tpu.memory_space<vmem>>) offsets(%dma_start3A_118 : memref<64xi32, #tpu.memory_space<vmem>>) semaphore(%arg15 : memref<!tpu.dma_semaphore, #tpu.memory_space<semaphore_mem>>)
      %dma_wait3A_122 = arith.constant 0 : i32
      %dma_wait3A_123 = arith.constant 0 : i32
      %dma_wait3A_124 = tpu.memref_slice %arg2[%dma_wait3A_122, %dma_wait3A_123] : memref<10000x128xf32, #tpu.memory_space<hbm>> -> memref<128x128xf32, #tpu.memory_space<hbm>>
      %dma_wait3A_125 = arith.constant 0 : i32
      %dma_wait3A_126 = arith.constant 0 : i32
      %dma_wait3A_127 = tpu.memref_slice %arg2[%dma_wait3A_125, %dma_wait3A_126] : memref<10000x128xf32, #tpu.memory_space<hbm>> -> memref<128x128xf32, #tpu.memory_space<hbm>>
      tpu.wait_dma2 semaphore(%arg14 : memref<!tpu.dma_semaphore, #tpu.memory_space<semaphore_mem>>) src(%dma_wait3A_127 : memref<128x128xf32, #tpu.memory_space<hbm>>) dst(%arg7 : memref<128x128xf32, #tpu.memory_space<vmem>>)
      %parallel_loop3A = arith.constant 0 : i32
      %parallel_loop3A_128 = arith.constant 128 : i32
      %parallel_loop3A_129 = arith.constant 1 : i32
      scf.for %parallel_loop3A_296 = %parallel_loop3A to %parallel_loop3A_128 step %parallel_loop3A_129  : i32 {
        %parallel_loop3A_297 = vector.broadcast %parallel_loop3A_296 : i32 to vector<16xi32>
        %parallel_loop3A_298 = arith.constant 2 : i32
        %parallel_loop3A_299 = vector.broadcast %parallel_loop3A_298 : i32 to vector<16xi32>
        %parallel_loop3A_300 = tpu.vector_load_idx %arg5[%parallel_loop3A_299, %parallel_loop3A_297] : memref<3x128xi32, #tpu.memory_space<vmem>>[vector<16xi32>, vector<16xi32>], vector<16xi32>,
        %parallel_loop3A_301 = vector.bitcast %parallel_loop3A_300 : vector<16xi32> to vector<16xf32>
        %parallel_loop3A_302 = arith.index_cast %parallel_loop3A_296 : i32 to index
        %parallel_loop3A_303 = arith.constant 0 : index
        %parallel_loop3A_304 = tpu.vector_load %arg7[%parallel_loop3A_302, %parallel_loop3A_303] {strides = array<i32>} : memref<128x128xf32, #tpu.memory_space<vmem>>, vector<16xf32>,
        %parallel_loop3A_305 = arith.mulf %parallel_loop3A_304, %parallel_loop3A_301 : vector<16xf32>
        %parallel_loop3A_306 = arith.index_cast %parallel_loop3A_296 : i32 to index
        %parallel_loop3A_307 = arith.constant 0 : index
        %parallel_loop3A_308 = tpu.vector_load %arg7[%parallel_loop3A_306, %parallel_loop3A_307] {strides = array<i32>} : memref<128x128xf32, #tpu.memory_space<vmem>>, vector<16xf32>,
        tpu.vector_store %arg7[%parallel_loop3A_306, %parallel_loop3A_307], %parallel_loop3A_305 {strides = array<i32>} : memref<128x128xf32, #tpu.memory_space<vmem>>, vector<16xf32>,
        %parallel_loop3A_309 = arith.index_cast %parallel_loop3A_296 : i32 to index
        %parallel_loop3A_310 = arith.constant 16 : index
        %parallel_loop3A_311 = tpu.vector_load %arg7[%parallel_loop3A_309, %parallel_loop3A_310] {strides = array<i32>} : memref<128x128xf32, #tpu.memory_space<vmem>>, vector<16xf32>,
        %parallel_loop3A_312 = arith.mulf %parallel_loop3A_311, %parallel_loop3A_301 : vector<16xf32>
        %parallel_loop3A_313 = arith.index_cast %parallel_loop3A_296 : i32 to index
        %parallel_loop3A_314 = arith.constant 16 : index
        %parallel_loop3A_315 = tpu.vector_load %arg7[%parallel_loop3A_313, %parallel_loop3A_314] {strides = array<i32>} : memref<128x128xf32, #tpu.memory_space<vmem>>, vector<16xf32>,
        tpu.vector_store %arg7[%parallel_loop3A_313, %parallel_loop3A_314], %parallel_loop3A_312 {strides = array<i32>} : memref<128x128xf32, #tpu.memory_space<vmem>>, vector<16xf32>,
        %parallel_loop3A_316 = arith.index_cast %parallel_loop3A_296 : i32 to index
        %parallel_loop3A_317 = arith.constant 32 : index
        %parallel_loop3A_318 = tpu.vector_load %arg7[%parallel_loop3A_316, %parallel_loop3A_317] {strides = array<i32>} : memref<128x128xf32, #tpu.memory_space<vmem>>, vector<16xf32>,
        %parallel_loop3A_319 = arith.mulf %parallel_loop3A_318, %parallel_loop3A_301 : vector<16xf32>
        %parallel_loop3A_320 = arith.index_cast %parallel_loop3A_296 : i32 to index
        %parallel_loop3A_321 = arith.constant 32 : index
        %parallel_loop3A_322 = tpu.vector_load %arg7[%parallel_loop3A_320, %parallel_loop3A_321] {strides = array<i32>} : memref<128x128xf32, #tpu.memory_space<vmem>>, vector<16xf32>,
        tpu.vector_store %arg7[%parallel_loop3A_320, %parallel_loop3A_321], %parallel_loop3A_319 {strides = array<i32>} : memref<128x128xf32, #tpu.memory_space<vmem>>, vector<16xf32>,
        %parallel_loop3A_323 = arith.index_cast %parallel_loop3A_296 : i32 to index
        %parallel_loop3A_324 = arith.constant 48 : index
        %parallel_loop3A_325 = tpu.vector_load %arg7[%parallel_loop3A_323, %parallel_loop3A_324] {strides = array<i32>} : memref<128x128xf32, #tpu.memory_space<vmem>>, vector<16xf32>,
        %parallel_loop3A_326 = arith.mulf %parallel_loop3A_325, %parallel_loop3A_301 : vector<16xf32>
        %parallel_loop3A_327 = arith.index_cast %parallel_loop3A_296 : i32 to index
        %parallel_loop3A_328 = arith.constant 48 : index
        %parallel_loop3A_329 = tpu.vector_load %arg7[%parallel_loop3A_327, %parallel_loop3A_328] {strides = array<i32>} : memref<128x128xf32, #tpu.memory_space<vmem>>, vector<16xf32>,
        tpu.vector_store %arg7[%parallel_loop3A_327, %parallel_loop3A_328], %parallel_loop3A_326 {strides = array<i32>} : memref<128x128xf32, #tpu.memory_space<vmem>>, vector<16xf32>,
        %parallel_loop3A_330 = arith.index_cast %parallel_loop3A_296 : i32 to index
        %parallel_loop3A_331 = arith.constant 64 : index
        %parallel_loop3A_332 = tpu.vector_load %arg7[%parallel_loop3A_330, %parallel_loop3A_331] {strides = array<i32>} : memref<128x128xf32, #tpu.memory_space<vmem>>, vector<16xf32>,
        %parallel_loop3A_333 = arith.mulf %parallel_loop3A_332, %parallel_loop3A_301 : vector<16xf32>
        %parallel_loop3A_334 = arith.index_cast %parallel_loop3A_296 : i32 to index
        %parallel_loop3A_335 = arith.constant 64 : index
        %parallel_loop3A_336 = tpu.vector_load %arg7[%parallel_loop3A_334, %parallel_loop3A_335] {strides = array<i32>} : memref<128x128xf32, #tpu.memory_space<vmem>>, vector<16xf32>,
        tpu.vector_store %arg7[%parallel_loop3A_334, %parallel_loop3A_335], %parallel_loop3A_333 {strides = array<i32>} : memref<128x128xf32, #tpu.memory_space<vmem>>, vector<16xf32>,
        %parallel_loop3A_337 = arith.index_cast %parallel_loop3A_296 : i32 to index
        %parallel_loop3A_338 = arith.constant 80 : index
        %parallel_loop3A_339 = tpu.vector_load %arg7[%parallel_loop3A_337, %parallel_loop3A_338] {strides = array<i32>} : memref<128x128xf32, #tpu.memory_space<vmem>>, vector<16xf32>,
        %parallel_loop3A_340 = arith.mulf %parallel_loop3A_339, %parallel_loop3A_301 : vector<16xf32>
        %parallel_loop3A_341 = arith.index_cast %parallel_loop3A_296 : i32 to index
        %parallel_loop3A_342 = arith.constant 80 : index
        %parallel_loop3A_343 = tpu.vector_load %arg7[%parallel_loop3A_341, %parallel_loop3A_342] {strides = array<i32>} : memref<128x128xf32, #tpu.memory_space<vmem>>, vector<16xf32>,
        tpu.vector_store %arg7[%parallel_loop3A_341, %parallel_loop3A_342], %parallel_loop3A_340 {strides = array<i32>} : memref<128x128xf32, #tpu.memory_space<vmem>>, vector<16xf32>,
        %parallel_loop3A_344 = arith.index_cast %parallel_loop3A_296 : i32 to index
        %parallel_loop3A_345 = arith.constant 96 : index
        %parallel_loop3A_346 = tpu.vector_load %arg7[%parallel_loop3A_344, %parallel_loop3A_345] {strides = array<i32>} : memref<128x128xf32, #tpu.memory_space<vmem>>, vector<16xf32>,
        %parallel_loop3A_347 = arith.mulf %parallel_loop3A_346, %parallel_loop3A_301 : vector<16xf32>
        %parallel_loop3A_348 = arith.index_cast %parallel_loop3A_296 : i32 to index
        %parallel_loop3A_349 = arith.constant 96 : index
        %parallel_loop3A_350 = tpu.vector_load %arg7[%parallel_loop3A_348, %parallel_loop3A_349] {strides = array<i32>} : memref<128x128xf32, #tpu.memory_space<vmem>>, vector<16xf32>,
        tpu.vector_store %arg7[%parallel_loop3A_348, %parallel_loop3A_349], %parallel_loop3A_347 {strides = array<i32>} : memref<128x128xf32, #tpu.memory_space<vmem>>, vector<16xf32>,
        %parallel_loop3A_351 = arith.index_cast %parallel_loop3A_296 : i32 to index
        %parallel_loop3A_352 = arith.constant 112 : index
        %parallel_loop3A_353 = tpu.vector_load %arg7[%parallel_loop3A_351, %parallel_loop3A_352] {strides = array<i32>} : memref<128x128xf32, #tpu.memory_space<vmem>>, vector<16xf32>,
        %parallel_loop3A_354 = arith.mulf %parallel_loop3A_353, %parallel_loop3A_301 : vector<16xf32>
        %parallel_loop3A_355 = arith.index_cast %parallel_loop3A_296 : i32 to index
        %parallel_loop3A_356 = arith.constant 112 : index
        %parallel_loop3A_357 = tpu.vector_load %arg7[%parallel_loop3A_355, %parallel_loop3A_356] {strides = array<i32>} : memref<128x128xf32, #tpu.memory_space<vmem>>, vector<16xf32>,
        tpu.vector_store %arg7[%parallel_loop3A_355, %parallel_loop3A_356], %parallel_loop3A_354 {strides = array<i32>} : memref<128x128xf32, #tpu.memory_space<vmem>>, vector<16xf32>,
      } {sc.loop_unroll_factor = 4 : i64, sc.parallel_access}
      %get3A = arith.constant 1 : i32
      %get3A_130 = arith.index_cast %get3A : i32 to index
      %get3A_131 = arith.constant 0 : index
      %get3A_132 = tpu.vector_load %arg5[%get3A_130, %get3A_131] {strides = array<i32>} : memref<3x128xi32, #tpu.memory_space<vmem>>, vector<16xi32>,
      %swap3A = arith.constant 0 : index
      %swap3A_133 = tpu.vector_load %arg9[%swap3A] {strides = array<i32>} : memref<128xi32, #tpu.memory_space<vmem>>, vector<16xi32>,
      tpu.vector_store %arg9[%swap3A], %get3A_132 {strides = array<i32>} : memref<128xi32, #tpu.memory_space<vmem>>, vector<16xi32>,
      %get3A_134 = arith.constant 1 : i32
      %get3A_135 = arith.index_cast %get3A_134 : i32 to index
      %get3A_136 = arith.constant 16 : index
      %get3A_137 = tpu.vector_load %arg5[%get3A_135, %get3A_136] {strides = array<i32>} : memref<3x128xi32, #tpu.memory_space<vmem>>, vector<16xi32>,
      %swap3A_138 = arith.constant 16 : index
      %swap3A_139 = tpu.vector_load %arg9[%swap3A_138] {strides = array<i32>} : memref<128xi32, #tpu.memory_space<vmem>>, vector<16xi32>,
      tpu.vector_store %arg9[%swap3A_138], %get3A_137 {strides = array<i32>} : memref<128xi32, #tpu.memory_space<vmem>>, vector<16xi32>,
      %get3A_140 = arith.constant 1 : i32
      %get3A_141 = arith.index_cast %get3A_140 : i32 to index
      %get3A_142 = arith.constant 32 : index
      %get3A_143 = tpu.vector_load %arg5[%get3A_141, %get3A_142] {strides = array<i32>} : memref<3x128xi32, #tpu.memory_space<vmem>>, vector<16xi32>,
      %swap3A_144 = arith.constant 32 : index
      %swap3A_145 = tpu.vector_load %arg9[%swap3A_144] {strides = array<i32>} : memref<128xi32, #tpu.memory_space<vmem>>, vector<16xi32>,
      tpu.vector_store %arg9[%swap3A_144], %get3A_143 {strides = array<i32>} : memref<128xi32, #tpu.memory_space<vmem>>, vector<16xi32>,
      %get3A_146 = arith.constant 1 : i32
      %get3A_147 = arith.index_cast %get3A_146 : i32 to index
      %get3A_148 = arith.constant 48 : index
      %get3A_149 = tpu.vector_load %arg5[%get3A_147, %get3A_148] {strides = array<i32>} : memref<3x128xi32, #tpu.memory_space<vmem>>, vector<16xi32>,
      %swap3A_150 = arith.constant 48 : index
      %swap3A_151 = tpu.vector_load %arg9[%swap3A_150] {strides = array<i32>} : memref<128xi32, #tpu.memory_space<vmem>>, vector<16xi32>,
      tpu.vector_store %arg9[%swap3A_150], %get3A_149 {strides = array<i32>} : memref<128xi32, #tpu.memory_space<vmem>>, vector<16xi32>,
      %get3A_152 = arith.constant 1 : i32
      %get3A_153 = arith.index_cast %get3A_152 : i32 to index
      %get3A_154 = arith.constant 64 : index
      %get3A_155 = tpu.vector_load %arg5[%get3A_153, %get3A_154] {strides = array<i32>} : memref<3x128xi32, #tpu.memory_space<vmem>>, vector<16xi32>,
      %swap3A_156 = arith.constant 64 : index
      %swap3A_157 = tpu.vector_load %arg9[%swap3A_156] {strides = array<i32>} : memref<128xi32, #tpu.memory_space<vmem>>, vector<16xi32>,
      tpu.vector_store %arg9[%swap3A_156], %get3A_155 {strides = array<i32>} : memref<128xi32, #tpu.memory_space<vmem>>, vector<16xi32>,
      %get3A_158 = arith.constant 1 : i32
      %get3A_159 = arith.index_cast %get3A_158 : i32 to index
      %get3A_160 = arith.constant 80 : index
      %get3A_161 = tpu.vector_load %arg5[%get3A_159, %get3A_160] {strides = array<i32>} : memref<3x128xi32, #tpu.memory_space<vmem>>, vector<16xi32>,
      %swap3A_162 = arith.constant 80 : index
      %swap3A_163 = tpu.vector_load %arg9[%swap3A_162] {strides = array<i32>} : memref<128xi32, #tpu.memory_space<vmem>>, vector<16xi32>,
      tpu.vector_store %arg9[%swap3A_162], %get3A_161 {strides = array<i32>} : memref<128xi32, #tpu.memory_space<vmem>>, vector<16xi32>,
      %get3A_164 = arith.constant 1 : i32
      %get3A_165 = arith.index_cast %get3A_164 : i32 to index
      %get3A_166 = arith.constant 96 : index
      %get3A_167 = tpu.vector_load %arg5[%get3A_165, %get3A_166] {strides = array<i32>} : memref<3x128xi32, #tpu.memory_space<vmem>>, vector<16xi32>,
      %swap3A_168 = arith.constant 96 : index
      %swap3A_169 = tpu.vector_load %arg9[%swap3A_168] {strides = array<i32>} : memref<128xi32, #tpu.memory_space<vmem>>, vector<16xi32>,
      tpu.vector_store %arg9[%swap3A_168], %get3A_167 {strides = array<i32>} : memref<128xi32, #tpu.memory_space<vmem>>, vector<16xi32>,
      %get3A_170 = arith.constant 1 : i32
      %get3A_171 = arith.index_cast %get3A_170 : i32 to index
      %get3A_172 = arith.constant 112 : index
      %get3A_173 = tpu.vector_load %arg5[%get3A_171, %get3A_172] {strides = array<i32>} : memref<3x128xi32, #tpu.memory_space<vmem>>, vector<16xi32>,
      %swap3A_174 = arith.constant 112 : index
      %swap3A_175 = tpu.vector_load %arg9[%swap3A_174] {strides = array<i32>} : memref<128xi32, #tpu.memory_space<vmem>>, vector<16xi32>,
      tpu.vector_store %arg9[%swap3A_174], %get3A_173 {strides = array<i32>} : memref<128xi32, #tpu.memory_space<vmem>>, vector<16xi32>,
      %dma_start3A_176 = arith.constant 0 : i32
      %dma_start3A_177 = arith.constant 0 : i32
      %dma_start3A_178 = tpu.memref_slice %arg11[%dma_start3A_176, %dma_start3A_177] : memref<10112x128xf32, #tpu.memory_space<vmem_shared>> -> memref<10112x128xf32, #tpu.memory_space<vmem_shared>>
      tpu.enqueue_indirect_dma source(%arg7 : memref<128x128xf32, #tpu.memory_space<vmem>>) target(%dma_start3A_178 : memref<10112x128xf32, #tpu.memory_space<vmem_shared>>) offsets(%arg9 : memref<128xi32, #tpu.memory_space<vmem>>) semaphore(%arg16 : memref<!tpu.dma_semaphore, #tpu.memory_space<semaphore_mem>>) {add = true}
      %add3A_179 = arith.addi %mul3A_19, %add3A_91 : i32
      %add3A_180 = arith.constant 0 : i32
      %add3A_181 = arith.addi %add3A_179, %add3A_180 : i32
      %add3A_182 = arith.constant 2 : i32
      %add3A_183 = arith.addi %add3A_181, %add3A_182 : i32
      %dma_start3A_184 = arith.constant 0 : i32
      %dma_start3A_185 = arith.constant 0 : i32
      %dma_start3A_186 = tpu.memref_slice %arg3[%add3A_183, %dma_start3A_184, %dma_start3A_185] : memref<2562x3x128xi32, #tpu.memory_space<hbm>> -> memref<1x3x128xi32, #tpu.memory_space<hbm>>
      %dma_start3A_187 = tpu.memref_squeeze %dma_start3A_186 : memref<1x3x128xi32, #tpu.memory_space<hbm>> -> memref<3x128xi32, #tpu.memory_space<hbm>>
      %dma_start3A_188 = arith.constant 0 : i32
      %dma_start3A_189 = arith.constant 0 : i32
      %dma_start3A_190 = tpu.memref_slice %arg3[%add3A_183, %dma_start3A_188, %dma_start3A_189] : memref<2562x3x128xi32, #tpu.memory_space<hbm>> -> memref<1x3x128xi32, #tpu.memory_space<hbm>>
      %dma_start3A_191 = tpu.memref_squeeze %dma_start3A_190 : memref<1x3x128xi32, #tpu.memory_space<hbm>> -> memref<3x128xi32, #tpu.memory_space<hbm>>
      tpu.enqueue_dma source(%dma_start3A_191 : memref<3x128xi32, #tpu.memory_space<hbm>>) target(%arg5 : memref<3x128xi32, #tpu.memory_space<vmem>>) target_semaphore(%arg12 : memref<!tpu.dma_semaphore, #tpu.memory_space<semaphore_mem>>)
      %dma_wait3A_192 = arith.constant 0 : i32
      %dma_wait3A_193 = arith.constant 0 : i32
      %dma_wait3A_194 = tpu.memref_slice %arg3[%mul3A_19, %dma_wait3A_192, %dma_wait3A_193] : memref<2562x3x128xi32, #tpu.memory_space<hbm>> -> memref<1x3x128xi32, #tpu.memory_space<hbm>>
      %dma_wait3A_195 = tpu.memref_squeeze %dma_wait3A_194 : memref<1x3x128xi32, #tpu.memory_space<hbm>> -> memref<3x128xi32, #tpu.memory_space<hbm>>
      %dma_wait3A_196 = arith.constant 0 : i32
      %dma_wait3A_197 = arith.constant 0 : i32
      %dma_wait3A_198 = tpu.memref_slice %arg3[%mul3A_19, %dma_wait3A_196, %dma_wait3A_197] : memref<2562x3x128xi32, #tpu.memory_space<hbm>> -> memref<1x3x128xi32, #tpu.memory_space<hbm>>
      %dma_wait3A_199 = tpu.memref_squeeze %dma_wait3A_198 : memref<1x3x128xi32, #tpu.memory_space<hbm>> -> memref<3x128xi32, #tpu.memory_space<hbm>>
      tpu.wait_dma2 semaphore(%arg12 : memref<!tpu.dma_semaphore, #tpu.memory_space<semaphore_mem>>) src(%dma_wait3A_199 : memref<3x128xi32, #tpu.memory_space<hbm>>) dst(%arg5 : memref<3x128xi32, #tpu.memory_space<vmem>>)
      %dma_wait3A_200 = arith.constant 0 : i32
      %dma_wait3A_201 = arith.constant 0 : i32
      %dma_wait3A_202 = tpu.memref_slice %arg11[%dma_wait3A_200, %dma_wait3A_201] : memref<10112x128xf32, #tpu.memory_space<vmem_shared>> -> memref<10112x128xf32, #tpu.memory_space<vmem_shared>>
      tpu.wait_indirect_dma semaphore(%arg16 : memref<!tpu.dma_semaphore, #tpu.memory_space<semaphore_mem>>) src(%arg7 : memref<128x128xf32, #tpu.memory_space<vmem>>) dst(%dma_wait3A_202 : memref<10112x128xf32, #tpu.memory_space<vmem_shared>>)
      %dma_start3A_203 = arith.constant 0 : i32
      %dma_start3A_204 = arith.constant 0 : i32
      %dma_start3A_205 = arith.constant 0 : i32
      %dma_start3A_206 = tpu.memref_slice %arg7[%dma_start3A_204, %dma_start3A_205] : memref<128x128xf32, #tpu.memory_space<vmem>> -> memref<64x128xf32, #tpu.memory_space<vmem>>
      %dma_start3A_207 = arith.constant 0 : i32
      %dma_start3A_208 = tpu.memref_slice %arg5[%dma_start3A_203, %dma_start3A_207] : memref<3x128xi32, #tpu.memory_space<vmem>> -> memref<1x64xi32, #tpu.memory_space<vmem>>
      %dma_start3A_209 = tpu.memref_squeeze %dma_start3A_208 : memref<1x64xi32, #tpu.memory_space<vmem>> -> memref<64xi32, #tpu.memory_space<vmem>>
      %dma_start3A_210 = arith.constant 0 : i32
      %dma_start3A_211 = arith.constant 0 : i32
      %dma_start3A_212 = tpu.memref_slice %arg2[%dma_start3A_210, %dma_start3A_211] : memref<10000x128xf32, #tpu.memory_space<hbm>> -> memref<10000x128xf32, #tpu.memory_space<hbm>>
      tpu.enqueue_indirect_dma source(%dma_start3A_212 : memref<10000x128xf32, #tpu.memory_space<hbm>>) target(%dma_start3A_206 : memref<64x128xf32, #tpu.memory_space<vmem>>) offsets(%dma_start3A_209 : memref<64xi32, #tpu.memory_space<vmem>>) semaphore(%arg14 : memref<!tpu.dma_semaphore, #tpu.memory_space<semaphore_mem>>)
      %dma_start3A_213 = arith.constant 0 : i32
      %dma_start3A_214 = arith.constant 64 : i32
      %dma_start3A_215 = arith.constant 0 : i32
      %dma_start3A_216 = tpu.memref_slice %arg7[%dma_start3A_214, %dma_start3A_215] : memref<128x128xf32, #tpu.memory_space<vmem>> -> memref<64x128xf32, #tpu.memory_space<vmem>>
      %dma_start3A_217 = arith.constant 64 : i32
      %dma_start3A_218 = tpu.memref_slice %arg5[%dma_start3A_213, %dma_start3A_217] : memref<3x128xi32, #tpu.memory_space<vmem>> -> memref<1x64xi32, #tpu.memory_space<vmem>>
      %dma_start3A_219 = tpu.memref_squeeze %dma_start3A_218 : memref<1x64xi32, #tpu.memory_space<vmem>> -> memref<64xi32, #tpu.memory_space<vmem>>
      %dma_start3A_220 = arith.constant 0 : i32
      %dma_start3A_221 = arith.constant 0 : i32
      %dma_start3A_222 = tpu.memref_slice %arg2[%dma_start3A_220, %dma_start3A_221] : memref<10000x128xf32, #tpu.memory_space<hbm>> -> memref<10000x128xf32, #tpu.memory_space<hbm>>
      tpu.enqueue_indirect_dma source(%dma_start3A_222 : memref<10000x128xf32, #tpu.memory_space<hbm>>) target(%dma_start3A_216 : memref<64x128xf32, #tpu.memory_space<vmem>>) offsets(%dma_start3A_219 : memref<64xi32, #tpu.memory_space<vmem>>) semaphore(%arg14 : memref<!tpu.dma_semaphore, #tpu.memory_space<semaphore_mem>>)
      %dma_wait3A_223 = arith.constant 0 : i32
      %dma_wait3A_224 = arith.constant 0 : i32
      %dma_wait3A_225 = tpu.memref_slice %arg2[%dma_wait3A_223, %dma_wait3A_224] : memref<10000x128xf32, #tpu.memory_space<hbm>> -> memref<128x128xf32, #tpu.memory_space<hbm>>
      %dma_wait3A_226 = arith.constant 0 : i32
      %dma_wait3A_227 = arith.constant 0 : i32
      %dma_wait3A_228 = tpu.memref_slice %arg2[%dma_wait3A_226, %dma_wait3A_227] : memref<10000x128xf32, #tpu.memory_space<hbm>> -> memref<128x128xf32, #tpu.memory_space<hbm>>
      tpu.wait_dma2 semaphore(%arg15 : memref<!tpu.dma_semaphore, #tpu.memory_space<semaphore_mem>>) src(%dma_wait3A_228 : memref<128x128xf32, #tpu.memory_space<hbm>>) dst(%arg8 : memref<128x128xf32, #tpu.memory_space<vmem>>)
      %parallel_loop3A_229 = arith.constant 0 : i32
      %parallel_loop3A_230 = arith.constant 128 : i32
      %parallel_loop3A_231 = arith.constant 1 : i32
      scf.for %parallel_loop3A_296 = %parallel_loop3A_229 to %parallel_loop3A_230 step %parallel_loop3A_231  : i32 {
        %parallel_loop3A_297 = vector.broadcast %parallel_loop3A_296 : i32 to vector<16xi32>
        %parallel_loop3A_298 = arith.constant 2 : i32
        %parallel_loop3A_299 = vector.broadcast %parallel_loop3A_298 : i32 to vector<16xi32>
        %parallel_loop3A_300 = tpu.vector_load_idx %arg6[%parallel_loop3A_299, %parallel_loop3A_297] : memref<3x128xi32, #tpu.memory_space<vmem>>[vector<16xi32>, vector<16xi32>], vector<16xi32>,
        %parallel_loop3A_301 = vector.bitcast %parallel_loop3A_300 : vector<16xi32> to vector<16xf32>
        %parallel_loop3A_302 = arith.index_cast %parallel_loop3A_296 : i32 to index
        %parallel_loop3A_303 = arith.constant 0 : index
        %parallel_loop3A_304 = tpu.vector_load %arg8[%parallel_loop3A_302, %parallel_loop3A_303] {strides = array<i32>} : memref<128x128xf32, #tpu.memory_space<vmem>>, vector<16xf32>,
        %parallel_loop3A_305 = arith.mulf %parallel_loop3A_304, %parallel_loop3A_301 : vector<16xf32>
        %parallel_loop3A_306 = arith.index_cast %parallel_loop3A_296 : i32 to index
        %parallel_loop3A_307 = arith.constant 0 : index
        %parallel_loop3A_308 = tpu.vector_load %arg8[%parallel_loop3A_306, %parallel_loop3A_307] {strides = array<i32>} : memref<128x128xf32, #tpu.memory_space<vmem>>, vector<16xf32>,
        tpu.vector_store %arg8[%parallel_loop3A_306, %parallel_loop3A_307], %parallel_loop3A_305 {strides = array<i32>} : memref<128x128xf32, #tpu.memory_space<vmem>>, vector<16xf32>,
        %parallel_loop3A_309 = arith.index_cast %parallel_loop3A_296 : i32 to index
        %parallel_loop3A_310 = arith.constant 16 : index
        %parallel_loop3A_311 = tpu.vector_load %arg8[%parallel_loop3A_309, %parallel_loop3A_310] {strides = array<i32>} : memref<128x128xf32, #tpu.memory_space<vmem>>, vector<16xf32>,
        %parallel_loop3A_312 = arith.mulf %parallel_loop3A_311, %parallel_loop3A_301 : vector<16xf32>
        %parallel_loop3A_313 = arith.index_cast %parallel_loop3A_296 : i32 to index
        %parallel_loop3A_314 = arith.constant 16 : index
        %parallel_loop3A_315 = tpu.vector_load %arg8[%parallel_loop3A_313, %parallel_loop3A_314] {strides = array<i32>} : memref<128x128xf32, #tpu.memory_space<vmem>>, vector<16xf32>,
        tpu.vector_store %arg8[%parallel_loop3A_313, %parallel_loop3A_314], %parallel_loop3A_312 {strides = array<i32>} : memref<128x128xf32, #tpu.memory_space<vmem>>, vector<16xf32>,
        %parallel_loop3A_316 = arith.index_cast %parallel_loop3A_296 : i32 to index
        %parallel_loop3A_317 = arith.constant 32 : index
        %parallel_loop3A_318 = tpu.vector_load %arg8[%parallel_loop3A_316, %parallel_loop3A_317] {strides = array<i32>} : memref<128x128xf32, #tpu.memory_space<vmem>>, vector<16xf32>,
        %parallel_loop3A_319 = arith.mulf %parallel_loop3A_318, %parallel_loop3A_301 : vector<16xf32>
        %parallel_loop3A_320 = arith.index_cast %parallel_loop3A_296 : i32 to index
        %parallel_loop3A_321 = arith.constant 32 : index
        %parallel_loop3A_322 = tpu.vector_load %arg8[%parallel_loop3A_320, %parallel_loop3A_321] {strides = array<i32>} : memref<128x128xf32, #tpu.memory_space<vmem>>, vector<16xf32>,
        tpu.vector_store %arg8[%parallel_loop3A_320, %parallel_loop3A_321], %parallel_loop3A_319 {strides = array<i32>} : memref<128x128xf32, #tpu.memory_space<vmem>>, vector<16xf32>,
        %parallel_loop3A_323 = arith.index_cast %parallel_loop3A_296 : i32 to index
        %parallel_loop3A_324 = arith.constant 48 : index
        %parallel_loop3A_325 = tpu.vector_load %arg8[%parallel_loop3A_323, %parallel_loop3A_324] {strides = array<i32>} : memref<128x128xf32, #tpu.memory_space<vmem>>, vector<16xf32>,
        %parallel_loop3A_326 = arith.mulf %parallel_loop3A_325, %parallel_loop3A_301 : vector<16xf32>
        %parallel_loop3A_327 = arith.index_cast %parallel_loop3A_296 : i32 to index
        %parallel_loop3A_328 = arith.constant 48 : index
        %parallel_loop3A_329 = tpu.vector_load %arg8[%parallel_loop3A_327, %parallel_loop3A_328] {strides = array<i32>} : memref<128x128xf32, #tpu.memory_space<vmem>>, vector<16xf32>,
        tpu.vector_store %arg8[%parallel_loop3A_327, %parallel_loop3A_328], %parallel_loop3A_326 {strides = array<i32>} : memref<128x128xf32, #tpu.memory_space<vmem>>, vector<16xf32>,
        %parallel_loop3A_330 = arith.index_cast %parallel_loop3A_296 : i32 to index
        %parallel_loop3A_331 = arith.constant 64 : index
        %parallel_loop3A_332 = tpu.vector_load %arg8[%parallel_loop3A_330, %parallel_loop3A_331] {strides = array<i32>} : memref<128x128xf32, #tpu.memory_space<vmem>>, vector<16xf32>,
        %parallel_loop3A_333 = arith.mulf %parallel_loop3A_332, %parallel_loop3A_301 : vector<16xf32>
        %parallel_loop3A_334 = arith.index_cast %parallel_loop3A_296 : i32 to index
        %parallel_loop3A_335 = arith.constant 64 : index
        %parallel_loop3A_336 = tpu.vector_load %arg8[%parallel_loop3A_334, %parallel_loop3A_335] {strides = array<i32>} : memref<128x128xf32, #tpu.memory_space<vmem>>, vector<16xf32>,
        tpu.vector_store %arg8[%parallel_loop3A_334, %parallel_loop3A_335], %parallel_loop3A_333 {strides = array<i32>} : memref<128x128xf32, #tpu.memory_space<vmem>>, vector<16xf32>,
        %parallel_loop3A_337 = arith.index_cast %parallel_loop3A_296 : i32 to index
        %parallel_loop3A_338 = arith.constant 80 : index
        %parallel_loop3A_339 = tpu.vector_load %arg8[%parallel_loop3A_337, %parallel_loop3A_338] {strides = array<i32>} : memref<128x128xf32, #tpu.memory_space<vmem>>, vector<16xf32>,
        %parallel_loop3A_340 = arith.mulf %parallel_loop3A_339, %parallel_loop3A_301 : vector<16xf32>
        %parallel_loop3A_341 = arith.index_cast %parallel_loop3A_296 : i32 to index
        %parallel_loop3A_342 = arith.constant 80 : index
        %parallel_loop3A_343 = tpu.vector_load %arg8[%parallel_loop3A_341, %parallel_loop3A_342] {strides = array<i32>} : memref<128x128xf32, #tpu.memory_space<vmem>>, vector<16xf32>,
        tpu.vector_store %arg8[%parallel_loop3A_341, %parallel_loop3A_342], %parallel_loop3A_340 {strides = array<i32>} : memref<128x128xf32, #tpu.memory_space<vmem>>, vector<16xf32>,
        %parallel_loop3A_344 = arith.index_cast %parallel_loop3A_296 : i32 to index
        %parallel_loop3A_345 = arith.constant 96 : index
        %parallel_loop3A_346 = tpu.vector_load %arg8[%parallel_loop3A_344, %parallel_loop3A_345] {strides = array<i32>} : memref<128x128xf32, #tpu.memory_space<vmem>>, vector<16xf32>,
        %parallel_loop3A_347 = arith.mulf %parallel_loop3A_346, %parallel_loop3A_301 : vector<16xf32>
        %parallel_loop3A_348 = arith.index_cast %parallel_loop3A_296 : i32 to index
        %parallel_loop3A_349 = arith.constant 96 : index
        %parallel_loop3A_350 = tpu.vector_load %arg8[%parallel_loop3A_348, %parallel_loop3A_349] {strides = array<i32>} : memref<128x128xf32, #tpu.memory_space<vmem>>, vector<16xf32>,
        tpu.vector_store %arg8[%parallel_loop3A_348, %parallel_loop3A_349], %parallel_loop3A_347 {strides = array<i32>} : memref<128x128xf32, #tpu.memory_space<vmem>>, vector<16xf32>,
        %parallel_loop3A_351 = arith.index_cast %parallel_loop3A_296 : i32 to index
        %parallel_loop3A_352 = arith.constant 112 : index
        %parallel_loop3A_353 = tpu.vector_load %arg8[%parallel_loop3A_351, %parallel_loop3A_352] {strides = array<i32>} : memref<128x128xf32, #tpu.memory_space<vmem>>, vector<16xf32>,
        %parallel_loop3A_354 = arith.mulf %parallel_loop3A_353, %parallel_loop3A_301 : vector<16xf32>
        %parallel_loop3A_355 = arith.index_cast %parallel_loop3A_296 : i32 to index
        %parallel_loop3A_356 = arith.constant 112 : index
        %parallel_loop3A_357 = tpu.vector_load %arg8[%parallel_loop3A_355, %parallel_loop3A_356] {strides = array<i32>} : memref<128x128xf32, #tpu.memory_space<vmem>>, vector<16xf32>,
        tpu.vector_store %arg8[%parallel_loop3A_355, %parallel_loop3A_356], %parallel_loop3A_354 {strides = array<i32>} : memref<128x128xf32, #tpu.memory_space<vmem>>, vector<16xf32>,
      } {sc.loop_unroll_factor = 4 : i64, sc.parallel_access}
      %get3A_232 = arith.constant 1 : i32
      %get3A_233 = arith.index_cast %get3A_232 : i32 to index
      %get3A_234 = arith.constant 0 : index
      %get3A_235 = tpu.vector_load %arg6[%get3A_233, %get3A_234] {strides = array<i32>} : memref<3x128xi32, #tpu.memory_space<vmem>>, vector<16xi32>,
      %swap3A_236 = arith.constant 0 : index
      %swap3A_237 = tpu.vector_load %arg10[%swap3A_236] {strides = array<i32>} : memref<128xi32, #tpu.memory_space<vmem>>, vector<16xi32>,
      tpu.vector_store %arg10[%swap3A_236], %get3A_235 {strides = array<i32>} : memref<128xi32, #tpu.memory_space<vmem>>, vector<16xi32>,
      %get3A_238 = arith.constant 1 : i32
      %get3A_239 = arith.index_cast %get3A_238 : i32 to index
      %get3A_240 = arith.constant 16 : index
      %get3A_241 = tpu.vector_load %arg6[%get3A_239, %get3A_240] {strides = array<i32>} : memref<3x128xi32, #tpu.memory_space<vmem>>, vector<16xi32>,
      %swap3A_242 = arith.constant 16 : index
      %swap3A_243 = tpu.vector_load %arg10[%swap3A_242] {strides = array<i32>} : memref<128xi32, #tpu.memory_space<vmem>>, vector<16xi32>,
      tpu.vector_store %arg10[%swap3A_242], %get3A_241 {strides = array<i32>} : memref<128xi32, #tpu.memory_space<vmem>>, vector<16xi32>,
      %get3A_244 = arith.constant 1 : i32
      %get3A_245 = arith.index_cast %get3A_244 : i32 to index
      %get3A_246 = arith.constant 32 : index
      %get3A_247 = tpu.vector_load %arg6[%get3A_245, %get3A_246] {strides = array<i32>} : memref<3x128xi32, #tpu.memory_space<vmem>>, vector<16xi32>,
      %swap3A_248 = arith.constant 32 : index
      %swap3A_249 = tpu.vector_load %arg10[%swap3A_248] {strides = array<i32>} : memref<128xi32, #tpu.memory_space<vmem>>, vector<16xi32>,
      tpu.vector_store %arg10[%swap3A_248], %get3A_247 {strides = array<i32>} : memref<128xi32, #tpu.memory_space<vmem>>, vector<16xi32>,
      %get3A_250 = arith.constant 1 : i32
      %get3A_251 = arith.index_cast %get3A_250 : i32 to index
      %get3A_252 = arith.constant 48 : index
      %get3A_253 = tpu.vector_load %arg6[%get3A_251, %get3A_252] {strides = array<i32>} : memref<3x128xi32, #tpu.memory_space<vmem>>, vector<16xi32>,
      %swap3A_254 = arith.constant 48 : index
      %swap3A_255 = tpu.vector_load %arg10[%swap3A_254] {strides = array<i32>} : memref<128xi32, #tpu.memory_space<vmem>>, vector<16xi32>,
      tpu.vector_store %arg10[%swap3A_254], %get3A_253 {strides = array<i32>} : memref<128xi32, #tpu.memory_space<vmem>>, vector<16xi32>,
      %get3A_256 = arith.constant 1 : i32
      %get3A_257 = arith.index_cast %get3A_256 : i32 to index
      %get3A_258 = arith.constant 64 : index
      %get3A_259 = tpu.vector_load %arg6[%get3A_257, %get3A_258] {strides = array<i32>} : memref<3x128xi32, #tpu.memory_space<vmem>>, vector<16xi32>,
      %swap3A_260 = arith.constant 64 : index
      %swap3A_261 = tpu.vector_load %arg10[%swap3A_260] {strides = array<i32>} : memref<128xi32, #tpu.memory_space<vmem>>, vector<16xi32>,
      tpu.vector_store %arg10[%swap3A_260], %get3A_259 {strides = array<i32>} : memref<128xi32, #tpu.memory_space<vmem>>, vector<16xi32>,
      %get3A_262 = arith.constant 1 : i32
      %get3A_263 = arith.index_cast %get3A_262 : i32 to index
      %get3A_264 = arith.constant 80 : index
      %get3A_265 = tpu.vector_load %arg6[%get3A_263, %get3A_264] {strides = array<i32>} : memref<3x128xi32, #tpu.memory_space<vmem>>, vector<16xi32>,
      %swap3A_266 = arith.constant 80 : index
      %swap3A_267 = tpu.vector_load %arg10[%swap3A_266] {strides = array<i32>} : memref<128xi32, #tpu.memory_space<vmem>>, vector<16xi32>,
      tpu.vector_store %arg10[%swap3A_266], %get3A_265 {strides = array<i32>} : memref<128xi32, #tpu.memory_space<vmem>>, vector<16xi32>,
      %get3A_268 = arith.constant 1 : i32
      %get3A_269 = arith.index_cast %get3A_268 : i32 to index
      %get3A_270 = arith.constant 96 : index
      %get3A_271 = tpu.vector_load %arg6[%get3A_269, %get3A_270] {strides = array<i32>} : memref<3x128xi32, #tpu.memory_space<vmem>>, vector<16xi32>,
      %swap3A_272 = arith.constant 96 : index
      %swap3A_273 = tpu.vector_load %arg10[%swap3A_272] {strides = array<i32>} : memref<128xi32, #tpu.memory_space<vmem>>, vector<16xi32>,
      tpu.vector_store %arg10[%swap3A_272], %get3A_271 {strides = array<i32>} : memref<128xi32, #tpu.memory_space<vmem>>, vector<16xi32>,
      %get3A_274 = arith.constant 1 : i32
      %get3A_275 = arith.index_cast %get3A_274 : i32 to index
      %get3A_276 = arith.constant 112 : index
      %get3A_277 = tpu.vector_load %arg6[%get3A_275, %get3A_276] {strides = array<i32>} : memref<3x128xi32, #tpu.memory_space<vmem>>, vector<16xi32>,
      %swap3A_278 = arith.constant 112 : index
      %swap3A_279 = tpu.vector_load %arg10[%swap3A_278] {strides = array<i32>} : memref<128xi32, #tpu.memory_space<vmem>>, vector<16xi32>,
      tpu.vector_store %arg10[%swap3A_278], %get3A_277 {strides = array<i32>} : memref<128xi32, #tpu.memory_space<vmem>>, vector<16xi32>,
      %dma_start3A_280 = arith.constant 0 : i32
      %dma_start3A_281 = arith.constant 0 : i32
      %dma_start3A_282 = tpu.memref_slice %arg11[%dma_start3A_280, %dma_start3A_281] : memref<10112x128xf32, #tpu.memory_space<vmem_shared>> -> memref<10112x128xf32, #tpu.memory_space<vmem_shared>>
      tpu.enqueue_indirect_dma source(%arg8 : memref<128x128xf32, #tpu.memory_space<vmem>>) target(%dma_start3A_282 : memref<10112x128xf32, #tpu.memory_space<vmem_shared>>) offsets(%arg10 : memref<128xi32, #tpu.memory_space<vmem>>) semaphore(%arg17 : memref<!tpu.dma_semaphore, #tpu.memory_space<semaphore_mem>>) {add = true}
      %add3A_283 = arith.addi %mul3A_19, %add3A_91 : i32
      %add3A_284 = arith.constant 1 : i32
      %add3A_285 = arith.addi %add3A_283, %add3A_284 : i32
      %add3A_286 = arith.constant 2 : i32
      %add3A_287 = arith.addi %add3A_285, %add3A_286 : i32
      %dma_start3A_288 = arith.constant 0 : i32
      %dma_start3A_289 = arith.constant 0 : i32
      %dma_start3A_290 = tpu.memref_slice %arg3[%add3A_287, %dma_start3A_288, %dma_start3A_289] : memref<2562x3x128xi32, #tpu.memory_space<hbm>> -> memref<1x3x128xi32, #tpu.memory_space<hbm>>
      %dma_start3A_291 = tpu.memref_squeeze %dma_start3A_290 : memref<1x3x128xi32, #tpu.memory_space<hbm>> -> memref<3x128xi32, #tpu.memory_space<hbm>>
      %dma_start3A_292 = arith.constant 0 : i32
      %dma_start3A_293 = arith.constant 0 : i32
      %dma_start3A_294 = tpu.memref_slice %arg3[%add3A_287, %dma_start3A_292, %dma_start3A_293] : memref<2562x3x128xi32, #tpu.memory_space<hbm>> -> memref<1x3x128xi32, #tpu.memory_space<hbm>>
      %dma_start3A_295 = tpu.memref_squeeze %dma_start3A_294 : memref<1x3x128xi32, #tpu.memory_space<hbm>> -> memref<3x128xi32, #tpu.memory_space<hbm>>
      tpu.enqueue_dma source(%dma_start3A_295 : memref<3x128xi32, #tpu.memory_space<hbm>>) target(%arg6 : memref<3x128xi32, #tpu.memory_space<vmem>>) target_semaphore(%arg13 : memref<!tpu.dma_semaphore, #tpu.memory_space<semaphore_mem>>)
    }
    %scan3A_68 = arith.constant 40 : i32
    %dma_wait3A_69 = arith.constant 0 : i32
    %dma_wait3A_70 = arith.constant 0 : i32
    %dma_wait3A_71 = tpu.memref_slice %arg2[%dma_wait3A_69, %dma_wait3A_70] : memref<10000x128xf32, #tpu.memory_space<hbm>> -> memref<128x128xf32, #tpu.memory_space<hbm>>
    %dma_wait3A_72 = arith.constant 0 : i32
    %dma_wait3A_73 = arith.constant 0 : i32
    %dma_wait3A_74 = tpu.memref_slice %arg2[%dma_wait3A_72, %dma_wait3A_73] : memref<10000x128xf32, #tpu.memory_space<hbm>> -> memref<128x128xf32, #tpu.memory_space<hbm>>
    tpu.wait_dma2 semaphore(%arg14 : memref<!tpu.dma_semaphore, #tpu.memory_space<semaphore_mem>>) src(%dma_wait3A_74 : memref<128x128xf32, #tpu.memory_space<hbm>>) dst(%arg7 : memref<128x128xf32, #tpu.memory_space<vmem>>)
    %dma_wait3A_75 = arith.constant 0 : i32
    %dma_wait3A_76 = arith.constant 0 : i32
    %dma_wait3A_77 = tpu.memref_slice %arg3[%mul3A_19, %dma_wait3A_75, %dma_wait3A_76] : memref<2562x3x128xi32, #tpu.memory_space<hbm>> -> memref<1x3x128xi32, #tpu.memory_space<hbm>>
    %dma_wait3A_78 = tpu.memref_squeeze %dma_wait3A_77 : memref<1x3x128xi32, #tpu.memory_space<hbm>> -> memref<3x128xi32, #tpu.memory_space<hbm>>
    %dma_wait3A_79 = arith.constant 0 : i32
    %dma_wait3A_80 = arith.constant 0 : i32
    %dma_wait3A_81 = tpu.memref_slice %arg3[%mul3A_19, %dma_wait3A_79, %dma_wait3A_80] : memref<2562x3x128xi32, #tpu.memory_space<hbm>> -> memref<1x3x128xi32, #tpu.memory_space<hbm>>
    %dma_wait3A_82 = tpu.memref_squeeze %dma_wait3A_81 : memref<1x3x128xi32, #tpu.memory_space<hbm>> -> memref<3x128xi32, #tpu.memory_space<hbm>>
    tpu.wait_dma2 semaphore(%arg13 : memref<!tpu.dma_semaphore, #tpu.memory_space<semaphore_mem>>) src(%dma_wait3A_82 : memref<3x128xi32, #tpu.memory_space<hbm>>) dst(%arg6 : memref<3x128xi32, #tpu.memory_space<vmem>>)
    %dma_wait3A_83 = arith.constant 0 : i32
    %dma_wait3A_84 = arith.constant 0 : i32
    %dma_wait3A_85 = tpu.memref_slice %arg11[%dma_wait3A_83, %dma_wait3A_84] : memref<10112x128xf32, #tpu.memory_space<vmem_shared>> -> memref<10112x128xf32, #tpu.memory_space<vmem_shared>>
    tpu.wait_indirect_dma semaphore(%arg17 : memref<!tpu.dma_semaphore, #tpu.memory_space<semaphore_mem>>) src(%arg8 : memref<128x128xf32, #tpu.memory_space<vmem>>) dst(%dma_wait3A_85 : memref<10112x128xf32, #tpu.memory_space<vmem_shared>>)
    %barrier3A_86 = arith.constant 0 : index
    tpu.barrier barrier_id(%barrier3A_86)
    "tpu.region"() ({
      %run_scoped3A = tpu.sem_alloc : memref<!tpu.dma_semaphore, #tpu.memory_space<semaphore_mem>>
      %dma_start3A_87 = arith.constant 0 : i32
      %dma_start3A_88 = tpu.memref_slice %arg4[%arg0, %mul3A_7, %dma_start3A_87] : memref<2x10112x128xf32, #tpu.memory_space<hbm>> -> memref<1x632x128xf32, #tpu.memory_space<hbm>>
      %dma_start3A_89 = tpu.memref_squeeze %dma_start3A_88 : memref<1x632x128xf32, #tpu.memory_space<hbm>> -> memref<632x128xf32, #tpu.memory_space<hbm>>
      %dma_start3A_90 = arith.constant 0 : i32
      %dma_start3A_91 = tpu.memref_slice %arg11[%mul3A_7, %dma_start3A_90] : memref<10112x128xf32, #tpu.memory_space<vmem_shared>> -> memref<632x128xf32, #tpu.memory_space<vmem_shared>>
      tpu.enqueue_dma source(%dma_start3A_91 : memref<632x128xf32, #tpu.memory_space<vmem_shared>>) target(%dma_start3A_89 : memref<632x128xf32, #tpu.memory_space<hbm>>) target_semaphore(%run_scoped3A : memref<!tpu.dma_semaphore, #tpu.memory_space<semaphore_mem>>)
      %dma_wait3A_92 = arith.constant 0 : i32
      %dma_wait3A_93 = tpu.memref_slice %arg4[%arg0, %mul3A_7, %dma_wait3A_92] : memref<2x10112x128xf32, #tpu.memory_space<hbm>> -> memref<1x632x128xf32, #tpu.memory_space<hbm>>
      %dma_wait3A_94 = tpu.memref_squeeze %dma_wait3A_93 : memref<1x632x128xf32, #tpu.memory_space<hbm>> -> memref<632x128xf32, #tpu.memory_space<hbm>>
      %dma_wait3A_95 = arith.constant 0 : i32
      %dma_wait3A_96 = tpu.memref_slice %arg11[%mul3A_7, %dma_wait3A_95] : memref<10112x128xf32, #tpu.memory_space<vmem_shared>> -> memref<632x128xf32, #tpu.memory_space<vmem_shared>>
      tpu.wait_dma2 semaphore(%run_scoped3A : memref<!tpu.dma_semaphore, #tpu.memory_space<semaphore_mem>>) src(%dma_wait3A_96 : memref<632x128xf32, #tpu.memory_space<vmem_shared>>) dst(%dma_wait3A_94 : memref<632x128xf32, #tpu.memory_space<hbm>>)
      tpu.yield
    }) : () -> ()
    return
  }
}

module attributes {stable_mosaic.version = 14 : i64} {
  func.func @_mm_body(%arg0: i32, %arg1: memref<2000x128xf32, #tpu.memory_space<vmem>>, %arg2: memref<128x128xf32, #tpu.memory_space<vmem>>, %arg3: memref<1x128xf32, #tpu.memory_space<vmem>>, %arg4: memref<2000x128xf32, #tpu.memory_space<vmem>>) attributes {dimension_semantics = [#tpu.dimension_semantics<arbitrary>], iteration_bounds = array<i64: 5>, scalar_prefetch = 0 : i64, scratch_operands = 0 : i64, tpu.core_type = #tpu.core_type<tc>, window_params = [{transform_indices = @transform_0, window_bounds = array<i64: 2000, 128>}, {pipeline_mode = #tpu.pipeline_mode<synchronous>, transform_indices = @transform_1, window_bounds = array<i64: 128, 128>}, {pipeline_mode = #tpu.pipeline_mode<synchronous>, transform_indices = @transform_2, window_bounds = array<i64: 1, 128>}, {transform_indices = @transform_3, window_bounds = array<i64: 2000, 128>}]} {
    %get3A = arith.constant 0 : index
    %get3A_0 = arith.constant 0 : index
    %get3A_1 = vector.load %arg1[%get3A, %get3A_0] : memref<2000x128xf32, #tpu.memory_space<vmem>>, vector<2000x128xf32>
    %get3A_2 = arith.constant 0 : index
    %get3A_3 = arith.constant 0 : index
    %get3A_4 = vector.load %arg2[%get3A_2, %get3A_3] : memref<128x128xf32, #tpu.memory_space<vmem>>, vector<128x128xf32>
    %dot_general3A = arith.constant dense<0.000000e+00> : vector<2000x128xf32>
    %dot_general3A_5 = tpu.matmul %get3A_1, %get3A_4, %dot_general3A {dimension_numbers = #tpu.dot_dimension_numbers<[1], [0], [0], [1], [0, 0, 1, 1], [], []>, transpose_lhs_hint = false} : vector<2000x128xf32>, vector<128x128xf32>, vector<2000x128xf32> -> vector<2000x128xf32>
    %get3A_6 = arith.constant 0 : index
    %get3A_7 = arith.constant 0 : index
    %get3A_8 = vector.load %arg3[%get3A_6, %get3A_7] : memref<1x128xf32, #tpu.memory_space<vmem>>, vector<1x128xf32>
    %add3A = vector.broadcast %get3A_8 : vector<1x128xf32> to vector<2000x128xf32>
    %add3A_9 = arith.addf %dot_general3A_5, %add3A : vector<2000x128xf32>
    %swap3A = arith.constant 0 : index
    %swap3A_10 = arith.constant 0 : index
    %swap3A_11 = vector.load %arg4[%swap3A, %swap3A_10] : memref<2000x128xf32, #tpu.memory_space<vmem>>, vector<2000x128xf32>
    tpu.vector_store %arg4[%swap3A, %swap3A_10], %add3A_9 {strides = array<i32>} : memref<2000x128xf32, #tpu.memory_space<vmem>>, vector<2000x128xf32>,
    return
  }
  func.func @transform_0(%arg0: i32) -> (i32, i32) {
    %c0_i32 = arith.constant 0 : i32
    %c0_i32_0 = arith.constant 0 : i32
    return %arg0, %c0_i32 : i32, i32
  }
  func.func @transform_1(%arg0: i32) -> (i32, i32) {
    %c0_i32 = arith.constant 0 : i32
    %c0_i32_0 = arith.constant 0 : i32
    %c0_i32_1 = arith.constant 0 : i32
    return %c0_i32, %c0_i32_0 : i32, i32
  }
  func.func @transform_2(%arg0: i32) -> (i32, i32) {
    %c0_i32 = arith.constant 0 : i32
    %c0_i32_0 = arith.constant 0 : i32
    %c0_i32_1 = arith.constant 0 : i32
    return %c0_i32, %c0_i32_0 : i32, i32
  }
  func.func @transform_3(%arg0: i32) -> (i32, i32) {
    %c0_i32 = arith.constant 0 : i32
    %c0_i32_0 = arith.constant 0 : i32
    return %arg0, %c0_i32 : i32, i32
  }
}

module attributes {stable_mosaic.version = 14 : i64} {
  func.func @_add_body(%arg0: i32, %arg1: memref<2000x128xf32, #tpu.memory_space<vmem>>, %arg2: memref<2000x128xf32, #tpu.memory_space<vmem>>, %arg3: memref<2000x128xf32, #tpu.memory_space<vmem>>) attributes {dimension_semantics = [#tpu.dimension_semantics<arbitrary>], iteration_bounds = array<i64: 5>, scalar_prefetch = 0 : i64, scratch_operands = 0 : i64, tpu.core_type = #tpu.core_type<tc>, window_params = [{transform_indices = @transform_0, window_bounds = array<i64: 2000, 128>}, {transform_indices = @transform_1, window_bounds = array<i64: 2000, 128>}, {transform_indices = @transform_2, window_bounds = array<i64: 2000, 128>}]} {
    %get3A = arith.constant 0 : index
    %get3A_0 = arith.constant 0 : index
    %get3A_1 = vector.load %arg1[%get3A, %get3A_0] : memref<2000x128xf32, #tpu.memory_space<vmem>>, vector<2000x128xf32>
    %get3A_2 = arith.constant 0 : index
    %get3A_3 = arith.constant 0 : index
    %get3A_4 = vector.load %arg2[%get3A_2, %get3A_3] : memref<2000x128xf32, #tpu.memory_space<vmem>>, vector<2000x128xf32>
    %add3A = arith.addf %get3A_1, %get3A_4 : vector<2000x128xf32>
    %swap3A = arith.constant 0 : index
    %swap3A_5 = arith.constant 0 : index
    %swap3A_6 = vector.load %arg3[%swap3A, %swap3A_5] : memref<2000x128xf32, #tpu.memory_space<vmem>>, vector<2000x128xf32>
    tpu.vector_store %arg3[%swap3A, %swap3A_5], %add3A {strides = array<i32>} : memref<2000x128xf32, #tpu.memory_space<vmem>>, vector<2000x128xf32>,
    return
  }
  func.func @transform_0(%arg0: i32) -> (i32, i32) {
    %c0_i32 = arith.constant 0 : i32
    %c0_i32_0 = arith.constant 0 : i32
    return %arg0, %c0_i32 : i32, i32
  }
  func.func @transform_1(%arg0: i32) -> (i32, i32) {
    %c0_i32 = arith.constant 0 : i32
    %c0_i32_0 = arith.constant 0 : i32
    return %arg0, %c0_i32 : i32, i32
  }
  func.func @transform_2(%arg0: i32) -> (i32, i32) {
    %c0_i32 = arith.constant 0 : i32
    %c0_i32_0 = arith.constant 0 : i32
    return %arg0, %c0_i32 : i32, i32
  }
}

</mosaic_0001>

<sc_bundles>
// kernel: kernel.5.cloned.1.call-start
scs
__scs_entry_jumppad:
0x0: {  	(pc) =	sbr.rel $0x88, $3  }
0x1: {  	(tag) =	ssettag $0x0;
	lr =	simm.s32 $0x1  }
0x2: {  	[smem:$0x3F9C] =	sst lr;
	_ =	strace $0xD0000000  }
0x3: {  	_ = 	snop  }
0x4: {  	_ = 	snop  }
0x5: {  	_ = 	snop  }
0x6: {  	_ = 	snop  }
0x7: {  	_ = 	snop  }
__scs_overlays_trampoline_lowered:
0x8: {  	[smem:$0x3FAB] =	sst s0  }
0x9: {  	[smem:$0x3FAC] =	sst s1  }
0xa: {  	[smem:$0x3FAD] =	sst s2  }
0xb: {  	[smem:$0x3FAE] =	sst s3  }
0xc: {  	[smem:$0x3FAF] =	sst s4  }
0xd: {  	[smem:$0x3FB0] =	sst s5  }
0xe: {  	[smem:$0x3FB1] =	sst s6  }
0xf: {  	[smem:$0x3FB2] =	sst s7  }
0x10: {  	[smem:$0x3FB3] =	sst s8  }
0x11: {  	[smem:$0x3FB4] =	sst s9;
	s0 =	simm.s32 @!p0 $0x0  }
0x12: {  	s1 =	sld [smem:$0x3F9A];
	s0 =	simm.s32 @p0 $0x1  }
0x13: {  	[smem:$0x3FB5] =	sst s0;
	s0 =	simm.s32 @!p1 $0x0  }
0x14: {  	s2 =	sld [smem:$0x3F99];
	s0 =	simm.s32 @p1 $0x1  }
0x15: {  	[smem:$0x3FB6] =	sst s0;
	s0 =	simm.s32 @!p2 $0x0  }
0x16: {  	s3 =	sld [smem:$0x3FDB];
	s0 =	simm.s32 @p2 $0x1  }
0x17: {  	s4 =	simm.s32 $0x1BF5;
	[smem:$0x3FB8] =	sst s0  }
0x18: {  	s0 =	sld [smem:$0x3F9B];
	_ =	swait.ge [sflag:s4], $0x0  }
0x19: {  	s7 =	sld [smem:$0x3F9C]  }
0x1a: {  	s8 =	sadd.s32 $0xFFFFE003, lr  }
0x1b: {  	s9 =	sadd.s32 $0xFFFFFEF7, lr;
	s5 =	simm.s32 $0xFFFFFFFF;
	p2 =	slt.u32 s8, $0xFFFFF086  }
0x1c: {  	p1 =	slt.u32 s9, $0xF7A;
	s5 =	simm.s32 @!p2 $0x0  }
0x1d: {  	s5 =	simm.s32 @p1 $0x1;
	p0 =	seq.s32 s7, s2  }
0x1e: {  	s7 =	smul.u32 @!p0 $0xF7A, s2;
	p2 =	seq.s32 @!p0 s5, $0x0  }
0x1f: {  	s9 =	smul.u32 $0xF7A, s1;
	s8 =	simm.s32 @!p0 $0x1BF5;
	p2 =	por !p2, p0  }
0x20: {  	[sflag:s8] =	ssyncset.s32 @!p0 $0xFFFFF086;
	s6 =	sadd.s32 @!p0 s3, s7;
	s7 =	simm.s32 @!p0 $0x108  }
0x21: {  	s3 =	sadd.s32 s3, s9;
	s6 =	sadd.s32 @!p0 $0x88, s6;
	s7 =	simm.s32 @p2 $0x1082  }
0x22: {  	[simem:s7], [sflag:s8] =	dma.local @!p0 [hbm:s6], $0xF7A  }
0x23: {  	s9 =	sor.u32 $0xD0000000, s2;
	s6 =	simm.s32 $0x108;
	_ =	swait.ge @!p0 [sflag:s8], $0x0  }
0x24: {  	s3 =	sadd.s32 $0x88, s3;
	s6 =	simm.s32 @!p1 $0x1082;
	[sflag:s4] =	ssyncset.s32 $0xFFFFF086  }
0x25: {  	[simem:s6], [sflag:s4] =	dma.local [hbm:s3], $0xF7A  }
0x26: {  	[smem:$0x3F9C] =	sst s1;
	(tag) =	ssettag s2;
	_ =	strace s9  }
0x27: {  	s1 =	sld [smem:$0x3FAC]  }
0x28: {  	s2 =	sld [smem:$0x3FAD]  }
0x29: {  	s4 =	sld [smem:$0x3FAF]  }
0x2a: {  	p0 =	seq.s32 s5, $0x0;
	s5 =	sld [smem:$0x3FB0]  }
0x2b: {  	s6 =	sld [smem:$0x3FB1]  }
0x2c: {  	s7 =	sld [smem:$0x3FB2]  }
0x2d: {  	s3 =	simm.s32 $0x108;
	s8 =	sld [smem:$0x3FB3]  }
0x2e: {  	s3 =	simm.s32 @!p0 $0x1082;
	s9 =	sld [smem:$0x3FB4]  }
0x2f: {  	lr =	sadd.s32 s0, s3;
	s0 =	sld [smem:$0x3FAB]  }
0x30: {  	s3 =	sld [smem:$0x3FAE]  }
0x31: {  	[smem:$0x3FB7] =	sst s10  }
0x32: {  	s10 =	sld [smem:$0x3FB5];
	_ =	sdelay $0x3  }
0x33: {  	p0 =	seq.s32 s10, $0x1;
	s10 =	sld [smem:$0x3FB7];
	_ =	sdelay $0x3  }
0x34: {  	[smem:$0x3FB7] =	sst s10  }
0x35: {  	s10 =	sld [smem:$0x3FB6];
	_ =	sdelay $0x3  }
0x36: {  	p1 =	seq.s32 s10, $0x1;
	s10 =	sld [smem:$0x3FB7];
	_ =	sdelay $0x3  }
0x37: {  	[smem:$0x3FB7] =	sst s10  }
0x38: {  	s10 =	sld [smem:$0x3FB8]  }
0x39: {  	_ = 	snop;
	(pc) =	sbr.ind lr, $3  }
0x3a: {  	_ = 	snop  }
0x3b: {  	_ = 	snop  }
0x3c: {  	p2 =	seq.s32 s10, $0x1;
	s10 =	sld [smem:$0x3FB7]  }
0x3d: {  	_ =	shalt  }
0x3e: {  	_ =	shalt  }
0x3f: {  	_ =	shalt  }
0x40: {  	_ =	shalt  }
0x41: {  	_ =	shalt  }
0x42: {  	_ =	shalt  }
0x43: {  	_ =	shalt  }
0x44: {  	_ =	shalt  }
0x45: {  	_ =	shalt  }
0x46: {  	_ =	shalt  }
0x47: {  	_ =	shalt  }
0x48: {  	_ =	shalt  }
0x49: {  	_ =	shalt  }
0x4a: {  	_ =	shalt  }
0x4b: {  	_ =	shalt  }
0x4c: {  	_ =	shalt  }
0x4d: {  	_ =	shalt  }
0x4e: {  	_ =	shalt  }
0x4f: {  	_ =	shalt  }
0x50: {  	_ =	shalt  }
0x51: {  	_ =	shalt  }
0x52: {  	_ =	shalt  }
0x53: {  	_ =	shalt  }
0x54: {  	_ =	shalt  }
0x55: {  	_ =	shalt  }
0x56: {  	_ =	shalt  }
0x57: {  	_ =	shalt  }
0x58: {  	_ =	shalt  }
0x59: {  	_ =	shalt  }
0x5a: {  	_ =	shalt  }
0x5b: {  	_ =	shalt  }
0x5c: {  	_ =	shalt  }
0x5d: {  	_ =	shalt  }
0x5e: {  	_ =	shalt  }
0x5f: {  	_ =	shalt  }
0x60: {  	_ =	shalt  }
0x61: {  	_ =	shalt  }
0x62: {  	_ =	shalt  }
0x63: {  	_ =	shalt  }
0x64: {  	_ =	shalt  }
0x65: {  	_ =	shalt  }
0x66: {  	_ =	shalt  }
0x67: {  	_ =	shalt  }
0x68: {  	_ =	shalt  }
0x69: {  	_ =	shalt  }
0x6a: {  	_ =	shalt  }
0x6b: {  	_ =	shalt  }
0x6c: {  	_ =	shalt  }
0x6d: {  	_ =	shalt  }
0x6e: {  	_ =	shalt  }
0x6f: {  	_ =	shalt  }
0x70: {  	_ =	shalt  }
0x71: {  	_ =	shalt  }
0x72: {  	_ =	shalt  }
0x73: {  	_ =	shalt  }
0x74: {  	_ =	shalt  }
0x75: {  	_ =	shalt  }
0x76: {  	_ =	shalt  }
0x77: {  	_ =	shalt  }
0x78: {  	_ =	shalt  }
0x79: {  	_ =	shalt  }
0x7a: {  	_ =	shalt  }
0x7b: {  	_ =	shalt  }
0x7c: {  	_ =	shalt  }
0x7d: {  	_ =	shalt  }
0x7e: {  	_ =	shalt  }
0x7f: {  	_ =	shalt  }
0x80: {  	_ =	shalt  }
0x81: {  	_ =	shalt  }
0x82: {  	_ =	shalt  }
0x83: {  	_ =	shalt  }
0x84: {  	_ =	shalt  }
0x85: {  	_ =	shalt  }
0x86: {  	_ =	shalt  }
0x87: {  	_ =	shalt  }
.Lfunc_end0:
.L_simem_size_0:
called_computation_lowered:
.L_overlay_start_0:
0x88: {  	s2 =	sld [smem:$0x3FD9]  }
0x89: {  	s3 =	sld [smem:$0x3FFE];
	_ =	sdelay $0x1  }
0x8a: {  	s1 =	srdreg.scid  }
0x8b: {  	s0 =	sand.u32 $0x1, s1  }
0x8c: {  	s17 =	sshll.u32 s0, $0xA;
	s2 =	sadd.s32 s3, s2  }
0x8d: {  	s2 =	sadd.s32 s2, s17  }
0x8e: {  	[smem:$0x3FC3] =	sst s2  }
0x8f: {  	_ = 	snop  }
0x90: {  	s2 =	sld [smem:$0x3FD0];
	(tm) =	ssettm $0x1  }
0x91: {  	s18 =	sld [smem:$0x3FFB];
	_ =	sdelay $0x3  }
0x92: {  	_ =	strace s18  }
0x93: {  	s3 =	sld [smem:$0x3FFC];
	_ =	sdelay $0x3  }
0x94: {  	_ =	strace s3  }
0x95: {  	s3 =	sld [smem:$0x3FFD];
	_ =	sdelay $0x3  }
0x96: {  	_ =	strace s3  }
0x97: {  	_ =	strace $0x8FFFFFFF  }
0x98: {  	s19 =	sld [smem:$0x3FDB];
	_ =	sdelay $0x1  }
0x99: {  	s4 =	simm.s32 $_scs_section_size  }
0x9a: {  	s5 =	simm.s32 $_size__tile_overlayer_lowered;
	s6 =	simm.s32 $_tile_overlayer_lowered  }
0x9b: {  	s22 =	simm.s32 $0x1BFF;
	s21 =	sshll.u32 s6, $0x1;
	s3 =	sadd.s32 s4, s19  }
0x9c: {  	s7 =	simm.s32 $0x0;
	s20 =	sshll.u32 s5, $0x1;
	s5 =	sadd.s32 s21, s3  }
0x9d: {  	[timem:s7], [sflag:s22] =	dma.local [hbm:s5], s20  }
0x9e: {  	_ =	swait.ge [sflag:s22], s20  }
0x9f: {  	s4 =	ssub.s32 $0x0, s20;
	[sflag:s22] =	ssyncset.done $0x0  }
0xa0: {  	[sflag:s22] =	ssyncadd.s32 s4;
	_ =	sdelay $0x1  }
0xa1: {  	s23 =	simm.s32 $0x1B8B  }
0xa2: {  	_ =	swait.ge [sflag:s23], $0x1  }
0xa3: {  	[sflag:s23] =	ssyncset.done $0x0  }
0xa4: {  	s25 =	simm.s32 $0x1B8E;
	s24 =	sld [smem:$0x3FFE];
	[sflag:s23] =	ssyncadd.s32 $0xFFFFFFFF  }
0xa5: {  	s26 =	simm.s32 $execute0_lowered;
	[smem:$0x3FD2] =	sst s25  }
0xa6: {  	s5 =	sshll.u32 s26, $0x1;
	_ =	strace $0x80000046;
	[dreg:$0x1] =	wrdreg $0xFFFFFFFF  }
0xa7: {  	s28 =	simm.s32 $_size_execute0_lowered;
	s3 =	sadd.s32 s3, s5;
	[dreg:$0x0] =	wrdreg $0x0  }
0xa8: {  	s5 =	sshll.u32 s28, $0x1;
	[dreg:$0x2] =	wrdreg s3  }
0xa9: {  	[dreg:$0x3] =	wrdreg s5  }
0xaa: {  	[dreg:$0x4] =	wrdreg $0xC0  }
0xab: {  	_ =	task [dreg:s7], $0x5FFFF  }
0xac: {  	[dreg:$0x1] =	wrdreg $0xFFFFFFFF  }
0xad: {  	[dreg:$0x0] =	wrdreg $0x60  }
0xae: {  	[dreg:$0x2] =	wrdreg s2  }
0xaf: {  	[dreg:$0x3] =	wrdreg s24  }
0xb0: {  	[dreg:$0x4] =	wrdreg $0x85000  }
0xb1: {  	[dreg:$0x5] =	wrdreg $0x9  }
0xb2: {  	_ =	task.clear_ibuf [dreg:s7], $0x6FFFF;
	_ =	strace $0x90000046  }
0xb3: {  	s29 =	simm.s32 $0x9;
	_ =	strace $0x80000048  }
0xb4: {  	_ =	swait.ge [sflag:s29], $0x1  }
0xb5: {  	[sflag:s29] =	ssyncadd.s32 $0xFFFFFFFF  }
0xb6: {  	_ =	strace $0x90000048  }
0xb7: {  	_ =	sfence  }
0xb8: {  	s30 =	sld [smem:$0x0];
	_ =	sdelay $0x2  }
0xb9: {  	s31 =	sshll.u32 s1, $0xD;
	s1 =	sshrl.u32 s1, $0x2  }
0xba: {  	s3 =	sand.u32 $0x4000, s31;
	s1 =	sadd.s32 s1, s30  }
0xbb: {  	s0 =	sor.u32 s3, s0;
	s1 =	sshll.u32 s1, $0x11  }
0xbc: {  	s0 =	sor.u32 s1, s0  }
0xbd: {  	s0 =	sadd.s32 $0x8F2B, s0  }
0xbe: {  	[sflag:s0] =	ssyncadd.remote.s32 $0x1  }
0xbf: {  	_ =	sfence.sel $0xFFFF  }
0xc0: {  	[dreg:$0x0] =	wrdreg $0xFFFFFFFF;
	(pc) =	sbr.abs _section_cstart, $3  }
0xc1: {  	[dreg:$0x1] =	wrdreg $0xFFFFFFFF  }
0xc2: {  	_ =	task.clear_ibuf [dreg:s7], $0x2FFFF;
	_ =	strace $0x9FFFFFFF  }
0xc3: {  	(tm) =	ssettm $0x7FFFFFFF  }
tec
execute0_lowered:
.L_overlay_start_1:
0x0: {  	(tag) =	ssettag $0x1  }
0x1: {  	s2 =	rddreg [dreg:$0x0]  }
0x2: {  	s0 =	srdreg.scid;
	s7 =	rddreg [dreg:$0x1]  }
0x3: {  	s8 =	stileid.u32;
	s4 =	rddreg [dreg:$0x2]  }
0x4: {  	s5 =	simm.s32 $0x0;
	s17 =	simm.s32 $0x400;
	s28 =	simm.s32 $0x3  }
0x5: {  	s29 =	simm.s32 $0x80;
	s30 =	simm.s32 $0x8400;
	s31 =	simm.s32 $0x5  }
0x6: {  	s0 =	sand.u32 $0x1, s0;
	s1 =	sshll.u32 s8, $0x1;
	s6 =	smul.u32 $0x13C00, s8  }
0x7: {  	[smem:$0x7FF] =	sst s5;
	s8 =	smul.u32 $0x4F000, s8;
	s13 =	sadd.s32 $0xE80, s7  }
0x8: {  	s14 =	sadd.s32 $0xEC0, s7;
	s1 =	sor.u32 s0, s1;
	s18 =	smul.u32 $0x13C000, s0  }
0x9: {  	_ =	strace $0x80000047;
	s0 =	ssub.s32 $0x2, s0;
	s3 =	smul.u32 $0x1400, s1  }
0xa: {  	s19 =	sshrl.u32 s8, $0x2;
	s20 =	sshrl.u32 s0, $0x1;
	s8 =	simm.s32 $0x0  }
0xb: {  	s1 =	sadd.s32 s6, s18;
	s6 =	sadd.s32 s19, s4;
	s0 =	ssub.s32 s0, s20  }
0xc: {  	s18 =	simm.s32 $0x7;
	s19 =	simm.s32 $0x200;
	s21 =	sadd.s32 $0x4000, s6  }
0xd: {  	s20 =	simm.s32 $0x1;
	s22 =	sadd.s32 $0x8000, s6;
	[dreg:$0x4] =	wrdreg s21  }
0xe: {  	s9 =	sadd.s32 s3, s7;
	s23 =	sadd.s32 $0xC000, s6;
	[dreg:$0x5] =	wrdreg s22  }
0xf: {  	s1 =	sshrl.u32 s1, $0x3;
	s24 =	sadd.s32 $0x10000, s6;
	[dreg:$0x6] =	wrdreg s23  }
0x10: {  	s0 =	smax.u32 s0, $0x1;
	s1 =	sadd.s32 s1, s7;
	[dreg:$0x7] =	wrdreg s24  }
0x11: {  	s25 =	sadd.s32 $0xE00, s9;
	s26 =	sadd.s32 $0xE40, s9;
	[dreg:$0xb] =	wrdreg s0  }
0x12: {  	s21 =	simm.s32 $0x40;
	s22 =	simm.s32 $0x2400;
	s23 =	simm.s32 $0x2  }
0x13: {  	s24 =	simm.s32 $0x4400;
	s0 =	simm.s32 $0x8480;
	[dreg:$0x8] =	wrdreg s25  }
0x14: {  	[dreg:$0x9] =	wrdreg s26;
	s1 =	sadd.s32 $0x29000, s1;
	s25 =	simm.s32 $0x240  }
0x15: {  	v0 =	vimm.f32 $0.0e+00;
	s26 =	simm.s32 $0x6400;
	[dreg:$0xa] =	wrdreg s1;
	s1 =	simm.s32 $0x4  }
.LBB2_1:
0x16: {  	s9 =	simm.s32 $0x0;
	s10 =	simm.s32 $0x200  }
.LBB2_2:
0x17: {  	p0 =	sne.s32 s10, $0xFE00;
	[tilespmem:s9+$0x470] =	vst v0  }
0x18: {  	[tilespmem:s9+$0x400] =	vst v0  }
0x19: {  	[tilespmem:s9+$0x410] =	vst v0  }
.Ltmp0:
0x1a: {  	[tilespmem:s9+$0x420] =	vst v0;
	(pc) =	sbr.rel @p0 .LBB2_2-.Ltmp0, $4  }
0x1b: {  	[tilespmem:s9+$0x430] =	vst v0  }
0x1c: {  	[tilespmem:s9+$0x440] =	vst v0  }
0x1d: {  	[tilespmem:s9+$0x450] =	vst v0  }
0x1e: {  	[tilespmem:s9+$0x460] =	vst v0;
	s9 =	sshra.s32 s10, $0x2;
	s10 =	sadd.s32 $0x200, s10  }
0x1f: {  	[tilespmem:s9+$0x470] =	vst v0  }
0x20: {  	[tilespmem:s9+$0x400] =	vst v0  }
0x21: {  	[tilespmem:s9+$0x410] =	vst v0  }
0x22: {  	[tilespmem:s9+$0x420] =	vst v0  }
0x23: {  	[tilespmem:s9+$0x430] =	vst v0  }
0x24: {  	[tilespmem:s9+$0x440] =	vst v0  }
0x25: {  	[tilespmem:s9+$0x450] =	vst v0  }
0x26: {  	[tilespmem:s9+$0x460] =	vst v0  }
0x27: {  	[spmem:s6] =	stream.linear.scatter [tilespmem:s17], [sflag:$0x7], $0x4000, $0x38;
	[tilespmem:$0x1C100] =	vst v63  }
0x28: {  	_ =	swait.ge [sflag:s18], $0x4000  }
0x29: {  	[sflag:s18] =	ssyncset.done $0x0  }
0x2a: {  	s7 =	rddreg [dreg:$0x4];
	[sflag:s18] =	ssyncadd.s32 $0xFFFFC000  }
0x2b: {  	[spmem:s7] =	stream.linear.scatter [tilespmem:s17], [sflag:$0x7], $0x4000, $0x38;
	[tilespmem:$0x1C100] =	vst v63  }
0x2c: {  	_ =	swait.ge [sflag:s18], $0x4000  }
0x2d: {  	[sflag:s18] =	ssyncset.done $0x0  }
0x2e: {  	s10 =	rddreg [dreg:$0x5];
	[sflag:s18] =	ssyncadd.s32 $0xFFFFC000  }
0x2f: {  	[spmem:s10] =	stream.linear.scatter [tilespmem:s17], [sflag:$0x7], $0x4000, $0x38;
	[tilespmem:$0x1C100] =	vst v63  }
0x30: {  	_ =	swait.ge [sflag:s18], $0x4000  }
0x31: {  	[sflag:s18] =	ssyncset.done $0x0  }
0x32: {  	s11 =	rddreg [dreg:$0x6];
	[sflag:s18] =	ssyncadd.s32 $0xFFFFC000  }
0x33: {  	[spmem:s11] =	stream.linear.scatter [tilespmem:s17], [sflag:$0x7], $0x4000, $0x38;
	[tilespmem:$0x1C100] =	vst v63  }
0x34: {  	_ =	swait.ge [sflag:s18], $0x4000  }
0x35: {  	[sflag:s18] =	ssyncset.done $0x0  }
0x36: {  	s12 =	rddreg [dreg:$0x7];
	[sflag:s18] =	ssyncadd.s32 $0xFFFFC000  }
0x37: {  	[spmem:s12] =	stream.linear.scatter [tilespmem:s17], [sflag:$0x7], $0x3C00, $0x38;
	[tilespmem:$0x1C100] =	vst v63  }
0x38: {  	_ =	swait.ge [sflag:s18], $0x3C00  }
0x39: {  	[sflag:s18] =	ssyncset.done $0x0  }
0x3a: {  	[sflag:s18] =	ssyncadd.s32 $0xFFFFC400  }
0x3b: {  	[bflag:$0x0] =	sbarrier.arrive $0xFFFF  }
0x3c: {  	s9 =	simm.s32 $0x0;
	s15 =	rddreg [dreg:$0x8]  }
0x3d: {  	[tilespmem:s9], [sflag:$0x1] =	stream.linear.gather [hbm4b:s15+s9], $0x180, $0x38;
	[tilespmem:$0x1C100] =	vst v63  }
0x3e: {  	s16 =	rddreg [dreg:$0x9]  }
0x3f: {  	[tilespmem:s19], [sflag:$0x2] =	stream.linear.gather [hbm4b:s16+s9], $0x180, $0x38;
	[tilespmem:$0x1C100] =	vst v63  }
0x40: {  	_ =	swait.ge [sflag:s20], $0x180  }
0x41: {  	[sflag:s20] =	ssyncset.done $0x0  }
0x42: {  	[sflag:s20] =	ssyncadd.s32 $0xFFFFFE80  }
0x43: {  	[tilespmem:s17], [sflag:$0x3] =	stream.indirect.gather [hbm4b:s2+s21], $0x80, s9, s21, $0xb8;
	[tilespmem:$0x1C100] =	vst v63  }
0x44: {  	s10 =	simm.s32 $0x0  }
0x45: {  	[tilespmem:s22], [sflag:$0x3] =	stream.indirect.gather [hbm4b:s2+s21], $0x80, s21, s21, $0xb8;
	[tilespmem:$0x1C100] =	vst v63  }
.LBB2_4:
0x46: {  	_ =	swait.ge [sflag:s23], $0x180  }
0x47: {  	p0 =	seq.s32 s10, $0x0;
	[sflag:s23] =	ssyncset.done $0x0  }
0x48: {  	s7 =	simm.s32 @!p0 $0x6;
	[sflag:s23] =	ssyncadd.s32 $0xFFFFFE80  }
0x49: {  	v1 =	vmov s9;
	s11 =	simm.s32 $0x3;
	_ =	swait.ge @!p0 [sflag:s7], $0x4000  }
0x4a: {  	v1 =	vand.u32 $0x7C, v1;
	v2 =	vmov s11;
	[sflag:s7] =	ssyncset.done @!p0 $0x0  }
0x4b: {  	v1 =	vor.u32 $0x100, v1;
	v2 =	vand.u32 $0x7F, v2;
	[sflag:s7] =	ssyncadd.s32 @!p0 $0xFFFFC000  }
0x4c: {  	v1 =	vbroadcast v1, $0x0;
	v2 =	vor.u32 $0x100, v2;
	[tilespmem:s24], [sflag:$0x4] =	stream.indirect.gather [hbm4b:s2+s21], $0x80, s19, s21, $0xb8;
	[tilespmem:$0x1C100] =	vst v63  }
0x4d: {  	v2 =	vbroadcast v2, $0x0  }
0x4e: {  	[tilespmem:s26], [sflag:$0x4] =	stream.indirect.gather [hbm4b:s2+s21], $0x80, s25, s21, $0xb8;
	[tilespmem:$0x1C100] =	vst v63  }
0x4f: {  	_ =	swait.ge [sflag:s28], $0x4000  }
0x50: {  	[sflag:s28] =	ssyncset.done $0x0  }
0x51: {  	[sflag:s28] =	ssyncadd.s32 $0xFFFFC000  }
0x52: {  	s15 =	simm.s32 $0x1;
	v3 =	vld.idx.msk [tilespmem:v1+s5+$0x0], $0xffff  }
0x53: {  	s11 =	simm.s32 $0x500;
	v4 =	vmov s15;
	v1 =	vld.idx.msk [tilespmem:v2+s5+$0x0], $0xffff  }
0x54: {  	v2 =	vand.u32 $0x7D, v4;
	v4 =	vld [tilespmem:s11+$0xF0]  }
0x55: {  	v5 =	vld [tilespmem:s11+$0xFFFFFF00]  }
0x56: {  	v6 =	vld [tilespmem:s11+$0xFFFFFF10];
	v2 =	vor.u32 $0x100, v2  }
0x57: {  	v7 =	vld [tilespmem:s11+$0xFFFFFF20];
	v2 =	vbroadcast v2, $0x0  }
0x58: {  	v8 =	vld [tilespmem:s11+$0xFFFFFF30]  }
0x59: {  	v9 =	vld [tilespmem:s11+$0xFFFFFF40]  }
0x5a: {  	v10 =	vld [tilespmem:s11+$0xFFFFFF50];
	v5 =	vmul.f32 v3, v5  }
0x5b: {  	v11 =	vld [tilespmem:s11+$0xFFFFFF60]  }
0x5c: {  	s16 =	simm.s32 $0x2;
	v4 =	vmul.f32 v1, v4;
	[tilespmem:s11+$0xFFFFFF00] =	vst v5;
	v5 =	vld [tilespmem:s11+$0xFFFFFF70]  }
0x5d: {  	v12 =	vmov s16;
	v6 =	vmul.f32 v3, v6;
	v13 =	vld.idx.msk [tilespmem:v2+s5+$0x0], $0xffff  }
0x5e: {  	[tilespmem:s11+$0xF0] =	vst v4;
	v4 =	vmul.f32 v3, v7;
	v2 =	vand.u32 $0x7E, v12;
	v12 =	vld [tilespmem:s11+$0xFFFFFF80]  }
0x5f: {  	v7 =	vld [tilespmem:s11+$0xFFFFFF90];
	[tilespmem:s11+$0xFFFFFF10] =	vst v6;
	v6 =	vmul.f32 v3, v8;
	v2 =	vor.u32 $0x100, v2  }
0x60: {  	v8 =	vld [tilespmem:s11+$0xFFFFFFA0];
	[tilespmem:s11+$0xFFFFFF20] =	vst v4;
	v4 =	vmul.f32 v3, v9;
	v2 =	vbroadcast v2, $0x0  }
0x61: {  	v9 =	vld [tilespmem:s11+$0xFFFFFFB0];
	[tilespmem:s11+$0xFFFFFF30] =	vst v6;
	v6 =	vmul.f32 v3, v10  }
0x62: {  	v11 =	vmul.f32 v3, v11;
	v10 =	vld [tilespmem:s11+$0xFFFFFFC0];
	[tilespmem:s11+$0xFFFFFF40] =	vst v4;
	v3 =	vmul.f32 v3, v5  }
0x63: {  	[tilespmem:s11+$0xFFFFFF50] =	vst v6;
	v6 =	vld [tilespmem:s11+$0xFFFFFFE0];
	v4 =	vmul.f32 v13, v12  }
0x64: {  	v12 =	vld [tilespmem:s11+$0xFFFFFFD0];
	[tilespmem:s11+$0xFFFFFF70] =	vst v3  }
0x65: {  	v3 =	vmul.f32 v13, v8;
	[tilespmem:s11+$0xFFFFFF80] =	vst v4;
	v4 =	vmul.f32 v13, v7;
	v7 =	vld [tilespmem:s11+$0x0]  }
0x66: {  	[tilespmem:s11+$0xFFFFFF60] =	vst v11;
	v2 =	vld.idx.msk [tilespmem:v2+s5+$0x0], $0xffff  }
0x67: {  	v5 =	vld [tilespmem:s11+$0xFFFFFFF0];
	[tilespmem:s11+$0xFFFFFFA0] =	vst v3;
	v3 =	vmul.f32 v13, v10  }
0x68: {  	v8 =	vld [tilespmem:s11+$0x10];
	[tilespmem:s11+$0xFFFFFF90] =	vst v4;
	v4 =	vmul.f32 v13, v9  }
0x69: {  	s12 =	simm.s32 $0x4;
	v6 =	vmul.f32 v13, v6;
	v9 =	vld [tilespmem:s11+$0x20];
	[tilespmem:s11+$0xFFFFFFC0] =	vst v3  }
0x6a: {  	v11 =	vmov s12;
	v10 =	vld [tilespmem:s11+$0x30];
	[tilespmem:s11+$0xFFFFFFB0] =	vst v4;
	v4 =	vmul.f32 v13, v12  }
0x6b: {  	v11 =	vand.u32 $0x7C, v11;
	v3 =	vld [tilespmem:s11+$0x40];
	[tilespmem:s11+$0xFFFFFFE0] =	vst v6;
	v7 =	vmul.f32 v2, v7  }
0x6c: {  	s15 =	simm.s32 $0x5;
	s16 =	simm.s32 $0x6;
	v6 =	vor.u32 $0x100, v11;
	v12 =	vmul.f32 v13, v5;
	[tilespmem:s11+$0xFFFFFFD0] =	vst v4;
	v4 =	vld [tilespmem:s11+$0x50]  }
0x6d: {  	v13 =	vmov s15;
	v5 =	vld [tilespmem:s11+$0x60];
	v8 =	vmul.f32 v2, v8;
	[tilespmem:s11+$0x0] =	vst v7;
	v7 =	vmov s16  }
0x6e: {  	[tilespmem:s11+$0xFFFFFFF0] =	vst v12;
	v12 =	vand.u32 $0x7D, v13;
	v9 =	vmul.f32 v2, v9;
	v11 =	vand.u32 $0x7E, v7;
	v7 =	vld [tilespmem:s11+$0x70]  }
0x6f: {  	s12 =	simm.s32 $0x500;
	v6 =	vbroadcast v6, $0x0;
	s15 =	simm.s32 $0x8;
	v10 =	vmul.f32 v2, v10;
	v12 =	vor.u32 $0x100, v12;
	s16 =	simm.s32 $0x7;
	[tilespmem:s11+$0x10] =	vst v8;
	v8 =	vld [tilespmem:s11+$0x80]  }
.LBB2_5:
0x70: {  	p0 =	slt.u32 s15, $0x7C;
	v11 =	vor.u32 $0x100, v11;
	v13 =	vmov s16;
	[tilespmem:s11+$0x20] =	vst v9;
	v3 =	vmul.f32 v2, v3;
	v9 =	vld [tilespmem:s11+$0x90]  }
0x71: {  	v12 =	vbroadcast v12, $0x0;
	v13 =	vand.u32 $0x7F, v13;
	[tilespmem:s11+$0x30] =	vst v10;
	v4 =	vmul.f32 v2, v4;
	v10 =	vld [tilespmem:s11+$0xA0]  }
0x72: {  	v11 =	vbroadcast v11, $0x0;
	v13 =	vor.u32 $0x100, v13;
	[tilespmem:s11+$0x40] =	vst v3;
	v3 =	vmul.f32 v2, v5;
	v5 =	vld [tilespmem:s11+$0xB0]  }
0x73: {  	v13 =	vbroadcast v13, $0x0;
	[tilespmem:s11+$0x50] =	vst v4;
	v2 =	vmul.f32 v2, v7;
	v4 =	vld [tilespmem:s11+$0xC0]  }
0x74: {  	[tilespmem:s11+$0x60] =	vst v3;
	v3 =	vmul.f32 v1, v8;
	v7 =	vld [tilespmem:s11+$0xD0]  }
0x75: {  	[tilespmem:s11+$0x70] =	vst v2;
	v2 =	vmul.f32 v1, v9;
	v8 =	vld [tilespmem:s11+$0xE0]  }
0x76: {  	v6 =	vld.idx.msk [tilespmem:v6+s5+$0x0], $0xffff;
	[tilespmem:s11+$0x80] =	vst v3;
	v3 =	vmul.f32 v1, v10  }
0x77: {  	v9 =	vld.idx.msk [tilespmem:v12+s5+$0x0], $0xffff;
	[tilespmem:s11+$0x90] =	vst v2;
	v5 =	vmul.f32 v1, v5  }
0x78: {  	v2 =	vld.idx.msk [tilespmem:v11+s5+$0x0], $0xffff;
	[tilespmem:s11+$0xA0] =	vst v3;
	v3 =	vmul.f32 v1, v4  }
0x79: {  	s11 =	sadd.s32 $0x200, s11;
	v4 =	vld.idx.msk [tilespmem:v13+s5+$0x0], $0xffff;
	[tilespmem:s12+$0xB0] =	vst v5;
	v5 =	vmul.f32 v1, v7  }
0x7a: {  	v7 =	vld [tilespmem:s11+$0xF0];
	[tilespmem:s12+$0xC0] =	vst v3;
	v1 =	vmul.f32 v1, v8  }
0x7b: {  	v3 =	vld [tilespmem:s11+$0xFFFFFF00];
	[tilespmem:s12+$0xD0] =	vst v5  }
0x7c: {  	v5 =	vld [tilespmem:s11+$0xFFFFFF10];
	[tilespmem:s12+$0xE0] =	vst v1;
	s12 =	smov.u32 s11  }
0x7d: {  	v8 =	vld [tilespmem:s11+$0xFFFFFF20]  }
0x7e: {  	v10 =	vld [tilespmem:s11+$0xFFFFFF30]  }
0x7f: {  	v1 =	vmov v4;
	v11 =	vld [tilespmem:s11+$0xFFFFFF40];
	v7 =	vmul.f32 v4, v7  }
0x80: {  	v3 =	vmul.f32 v6, v3;
	v4 =	vld [tilespmem:s11+$0xFFFFFF50]  }
0x81: {  	v5 =	vmul.f32 v6, v5;
	v12 =	vld [tilespmem:s11+$0xFFFFFF60];
	[tilespmem:s11+$0xF0] =	vst v7  }
0x82: {  	[tilespmem:s11+$0xFFFFFF00] =	vst v3;
	v3 =	vmul.f32 v6, v8;
	v7 =	vld [tilespmem:s11+$0xFFFFFF70]  }
0x83: {  	[tilespmem:s11+$0xFFFFFF10] =	vst v5;
	v5 =	vmul.f32 v6, v10;
	v8 =	vld [tilespmem:s11+$0xFFFFFF80]  }
0x84: {  	[tilespmem:s11+$0xFFFFFF20] =	vst v3;
	v3 =	vmul.f32 v6, v11;
	v10 =	vld [tilespmem:s11+$0xFFFFFF90]  }
0x85: {  	[tilespmem:s11+$0xFFFFFF30] =	vst v5;
	v4 =	vmul.f32 v6, v4;
	v5 =	vld [tilespmem:s11+$0xFFFFFFA0]  }
0x86: {  	[tilespmem:s11+$0xFFFFFF40] =	vst v3;
	v3 =	vmul.f32 v6, v12;
	v11 =	vld [tilespmem:s11+$0xFFFFFFB0]  }
0x87: {  	[tilespmem:s11+$0xFFFFFF50] =	vst v4;
	v4 =	vmul.f32 v6, v7;
	v6 =	vld [tilespmem:s11+$0xFFFFFFC0]  }
0x88: {  	[tilespmem:s11+$0xFFFFFF60] =	vst v3;
	v3 =	vmul.f32 v9, v8;
	v7 =	vld [tilespmem:s11+$0xFFFFFFD0]  }
0x89: {  	[tilespmem:s11+$0xFFFFFF70] =	vst v4;
	v4 =	vmul.f32 v9, v10;
	v8 =	vld [tilespmem:s11+$0xFFFFFFE0]  }
0x8a: {  	[tilespmem:s11+$0xFFFFFF80] =	vst v3;
	v3 =	vmul.f32 v9, v5;
	v5 =	vld [tilespmem:s11+$0xFFFFFFF0]  }
0x8b: {  	[tilespmem:s11+$0xFFFFFF90] =	vst v4;
	v4 =	vmul.f32 v9, v11;
	v10 =	vld [tilespmem:s11+$0x0]  }
0x8c: {  	[tilespmem:s11+$0xFFFFFFA0] =	vst v3;
	v3 =	vmul.f32 v9, v6;
	v6 =	vld [tilespmem:s11+$0x10]  }
0x8d: {  	[tilespmem:s11+$0xFFFFFFB0] =	vst v4;
	v4 =	vmul.f32 v9, v7;
	v7 =	vld [tilespmem:s11+$0x20]  }
0x8e: {  	[tilespmem:s11+$0xFFFFFFC0] =	vst v3;
	v8 =	vmul.f32 v9, v8;
	v13 =	vld [tilespmem:s11+$0x30]  }
.Ltmp1:
0x8f: {  	s7 =	sadd.s32 $0x1, s15;
	v11 =	vmov s15;
	[tilespmem:s11+$0xFFFFFFD0] =	vst v4;
	v5 =	vmul.f32 v9, v5;
	v3 =	vld [tilespmem:s11+$0x40];
	(pc) =	sbr.rel @p0 .LBB2_5-.Ltmp1, $4  }
0x90: {  	v9 =	vand.u32 $0x7C, v11;
	v11 =	vmov s7;
	s7 =	sadd.s32 $0x2, s15;
	[tilespmem:s11+$0xFFFFFFE0] =	vst v8;
	v8 =	vmul.f32 v2, v10;
	v4 =	vld [tilespmem:s11+$0x50]  }
0x91: {  	v10 =	vor.u32 $0x100, v9;
	v9 =	vmov s7;
	[tilespmem:s11+$0xFFFFFFF0] =	vst v5;
	v14 =	vmul.f32 v2, v6;
	v5 =	vld [tilespmem:s11+$0x60]  }
0x92: {  	v12 =	vand.u32 $0x7D, v11;
	v11 =	vand.u32 $0x7E, v9;
	[tilespmem:s11+$0x0] =	vst v8;
	v9 =	vmul.f32 v2, v7;
	v7 =	vld [tilespmem:s11+$0x70]  }
0x93: {  	s16 =	sadd.s32 $0x3, s15;
	s15 =	sadd.s32 $0x4, s15;
	v6 =	vbroadcast v10, $0x0;
	v12 =	vor.u32 $0x100, v12;
	[tilespmem:s11+$0x10] =	vst v14;
	v10 =	vmul.f32 v2, v13;
	v8 =	vld [tilespmem:s11+$0x80]  }
0x94: {  	v14 =	vld [tilespmem:s11+$0x90]  }
0x95: {  	v15 =	vld [tilespmem:s11+$0xA0]  }
0x96: {  	v13 =	vmov s16;
	v11 =	vor.u32 $0x100, v11;
	v12 =	vbroadcast v12, $0x0;
	v16 =	vld [tilespmem:s11+$0xB0]  }
0x97: {  	v17 =	vld [tilespmem:s11+$0xC0];
	[tilespmem:s11+$0x20] =	vst v9;
	v3 =	vmul.f32 v2, v3;
	v13 =	vand.u32 $0x7F, v13;
	v11 =	vbroadcast v11, $0x0  }
0x98: {  	v9 =	vld [tilespmem:s11+$0xD0];
	[tilespmem:s11+$0x30] =	vst v10;
	v4 =	vmul.f32 v2, v4;
	v13 =	vor.u32 $0x100, v13  }
0x99: {  	v10 =	vld [tilespmem:s11+$0xE0];
	[tilespmem:s11+$0x40] =	vst v3;
	v3 =	vmul.f32 v2, v5;
	v13 =	vbroadcast v13, $0x0  }
0x9a: {  	s15 =	sadd.s32 $0x200, s11;
	v5 =	vld.idx.msk [tilespmem:v6+s5+$0x0], $0xffff;
	[tilespmem:s11+$0x50] =	vst v4;
	v2 =	vmul.f32 v2, v7  }
0x9b: {  	[tilespmem:s11+$0x60] =	vst v3;
	v3 =	vmul.f32 v1, v8;
	v8 =	vld [tilespmem:s15+$0xF0]  }
0x9c: {  	[tilespmem:s11+$0x70] =	vst v2;
	v2 =	vmul.f32 v1, v14;
	v4 =	vld.idx.msk [tilespmem:v12+s5+$0x0], $0xffff  }
0x9d: {  	[tilespmem:s11+$0x80] =	vst v3;
	v3 =	vmul.f32 v1, v15;
	v6 =	vld.idx.msk [tilespmem:v11+s5+$0x0], $0xffff  }
0x9e: {  	[tilespmem:s11+$0x90] =	vst v2;
	v2 =	vmul.f32 v1, v16;
	v11 =	vld [tilespmem:s15+$0xFFFFFF00]  }
0x9f: {  	[tilespmem:s11+$0xA0] =	vst v3;
	v3 =	vmul.f32 v1, v17;
	v7 =	vld.idx.msk [tilespmem:v13+s5+$0x0], $0xffff  }
0xa0: {  	v12 =	vld [tilespmem:s15+$0xFFFFFF10];
	[tilespmem:s12+$0xB0] =	vst v2;
	v2 =	vmul.f32 v1, v9  }
0xa1: {  	v9 =	vld [tilespmem:s15+$0xFFFFFF20];
	v1 =	vmul.f32 v1, v10;
	[tilespmem:s12+$0xC0] =	vst v3  }
0xa2: {  	v3 =	vld [tilespmem:s15+$0xFFFFFF30];
	[tilespmem:s12+$0xD0] =	vst v2  }
0xa3: {  	v2 =	vld [tilespmem:s15+$0xFFFFFF40];
	[tilespmem:s12+$0xE0] =	vst v1;
	v1 =	vmul.f32 v5, v11  }
0xa4: {  	v10 =	vld [tilespmem:s15+$0xFFFFFF50];
	v8 =	vmul.f32 v7, v8  }
0xa5: {  	v11 =	vmul.f32 v5, v12;
	v12 =	vld [tilespmem:s15+$0xFFFFFF60];
	[tilespmem:s15+$0xFFFFFF00] =	vst v1  }
0xa6: {  	v1 =	vmul.f32 v5, v9;
	[tilespmem:s15+$0xF0] =	vst v8;
	v8 =	vld [tilespmem:s15+$0xFFFFFF70]  }
0xa7: {  	[tilespmem:s15+$0xFFFFFF10] =	vst v11;
	v9 =	vld [tilespmem:s15+$0xFFFFFF80];
	v3 =	vmul.f32 v5, v3  }
0xa8: {  	[tilespmem:s15+$0xFFFFFF20] =	vst v1;
	v1 =	vmul.f32 v5, v2;
	v2 =	vld [tilespmem:s15+$0xFFFFFF90]  }
0xa9: {  	[tilespmem:s15+$0xFFFFFF30] =	vst v3;
	v3 =	vmul.f32 v5, v10;
	v10 =	vld [tilespmem:s15+$0xFFFFFFA0]  }
0xaa: {  	v11 =	vld [tilespmem:s15+$0xFFFFFFB0];
	[tilespmem:s15+$0xFFFFFF40] =	vst v1;
	v1 =	vmul.f32 v5, v12  }
0xab: {  	[tilespmem:s15+$0xFFFFFF50] =	vst v3;
	v3 =	vmul.f32 v5, v8;
	v5 =	vld [tilespmem:s15+$0xFFFFFFC0]  }
0xac: {  	[tilespmem:s15+$0xFFFFFF60] =	vst v1;
	v1 =	vmul.f32 v4, v9;
	v8 =	vld [tilespmem:s15+$0xFFFFFFD0]  }
0xad: {  	v2 =	vmul.f32 v4, v2;
	[tilespmem:s15+$0xFFFFFF70] =	vst v3;
	v3 =	vld [tilespmem:s15+$0xFFFFFFE0]  }
0xae: {  	v9 =	vld [tilespmem:s15+$0xFFFFFFF0];
	[tilespmem:s15+$0xFFFFFF80] =	vst v1;
	v1 =	vmul.f32 v4, v10  }
0xaf: {  	v10 =	vld [tilespmem:s15+$0x0];
	[tilespmem:s15+$0xFFFFFF90] =	vst v2;
	v2 =	vmul.f32 v4, v11  }
0xb0: {  	[tilespmem:s15+$0xFFFFFFA0] =	vst v1;
	v1 =	vmul.f32 v4, v5;
	v5 =	vld [tilespmem:s15+$0x10]  }
0xb1: {  	[tilespmem:s15+$0xFFFFFFB0] =	vst v2;
	v2 =	vmul.f32 v4, v8;
	v8 =	vld [tilespmem:s15+$0x20]  }
0xb2: {  	[tilespmem:s15+$0xFFFFFFC0] =	vst v1;
	v1 =	vmul.f32 v4, v3;
	v3 =	vld [tilespmem:s15+$0x30]  }
0xb3: {  	[tilespmem:s15+$0xFFFFFFD0] =	vst v2;
	v2 =	vmul.f32 v4, v9;
	v4 =	vld [tilespmem:s15+$0x40]  }
0xb4: {  	v9 =	vld [tilespmem:s15+$0x50];
	[tilespmem:s15+$0xFFFFFFE0] =	vst v1;
	v1 =	vmul.f32 v6, v10  }
0xb5: {  	[tilespmem:s15+$0xFFFFFFF0] =	vst v2;
	v2 =	vmul.f32 v6, v5;
	v5 =	vld [tilespmem:s15+$0x60]  }
0xb6: {  	[tilespmem:s15+$0x0] =	vst v1;
	v1 =	vmul.f32 v6, v8;
	v8 =	vld [tilespmem:s15+$0x70]  }
0xb7: {  	[tilespmem:s15+$0x10] =	vst v2;
	v2 =	vmul.f32 v6, v3;
	v3 =	vld [tilespmem:s15+$0x80]  }
0xb8: {  	[tilespmem:s15+$0x20] =	vst v1;
	v1 =	vmul.f32 v6, v4;
	v4 =	vld [tilespmem:s15+$0x90]  }
0xb9: {  	[tilespmem:s15+$0x30] =	vst v2;
	v2 =	vmul.f32 v6, v9;
	v9 =	vld [tilespmem:s15+$0xA0]  }
0xba: {  	[tilespmem:s15+$0x40] =	vst v1;
	v1 =	vmul.f32 v6, v5;
	v5 =	vld [tilespmem:s15+$0xB0]  }
0xbb: {  	[tilespmem:s15+$0x50] =	vst v2;
	v2 =	vmul.f32 v6, v8;
	v6 =	vld [tilespmem:s15+$0xC0]  }
0xbc: {  	[tilespmem:s15+$0x60] =	vst v1;
	v1 =	vmul.f32 v7, v3;
	v3 =	vld [tilespmem:s15+$0xD0]  }
0xbd: {  	[tilespmem:s15+$0x70] =	vst v2;
	v2 =	vmul.f32 v7, v4;
	v4 =	vld [tilespmem:s15+$0xE0]  }
0xbe: {  	[tilespmem:s15+$0x80] =	vst v1;
	v1 =	vmul.f32 v7, v9  }
0xbf: {  	[tilespmem:s15+$0x90] =	vst v2;
	v2 =	vmul.f32 v7, v5  }
0xc0: {  	[tilespmem:s15+$0xA0] =	vst v1;
	v1 =	vmul.f32 v7, v6  }
0xc1: {  	[tilespmem:s15+$0xB0] =	vst v2;
	v2 =	vmul.f32 v7, v3  }
0xc2: {  	[tilespmem:s15+$0xC0] =	vst v1;
	v1 =	vmul.f32 v7, v4  }
0xc3: {  	[tilespmem:s15+$0xD0] =	vst v2  }
0xc4: {  	[tilespmem:s15+$0xE0] =	vst v1  }
0xc5: {  	v1 =	vld [tilespmem:$0x80]  }
0xc6: {  	v2 =	vld [tilespmem:$0x90]  }
0xc7: {  	v3 =	vld [tilespmem:$0xA0]  }
0xc8: {  	v4 =	vld [tilespmem:$0xB0]  }
0xc9: {  	v5 =	vld [tilespmem:$0xC0]  }
0xca: {  	[tilespmem:$0x8400] =	vst v1;
	v1 =	vld [tilespmem:$0xD0]  }
0xcb: {  	[tilespmem:$0x8410] =	vst v2;
	v2 =	vld [tilespmem:$0xE0]  }
0xcc: {  	[tilespmem:$0x8420] =	vst v3;
	v3 =	vld [tilespmem:$0xF0]  }
0xcd: {  	[tilespmem:$0x8430] =	vst v4  }
0xce: {  	[tilespmem:$0x8440] =	vst v5  }
0xcf: {  	[tilespmem:$0x8450] =	vst v1  }
0xd0: {  	s7 =	sshll.u32 s10, $0x7;
	[tilespmem:$0x8460] =	vst v2  }
0xd1: {  	s11 =	sadd.s32 s3, s7;
	[tilespmem:$0x8470] =	vst v3  }
0xd2: {  	[spmem:s4] =	stream.indirect.scatter.add.f32 [tilespmem:s17], [sflag:$0x5], $0x80, s30, s29, $0xb8;
	[tilespmem:$0x1C100] =	vst v63  }
0xd3: {  	s16 =	simm.s32 $0x0;
	s7 =	sadd.s32 s11, s13  }
0xd4: {  	[tilespmem:s16], [sflag:$0x1] =	stream.linear.gather [hbm4b:s7+s16], $0x180, $0x38;
	[tilespmem:$0x1C100] =	vst v63  }
0xd5: {  	_ =	swait.ge [sflag:s20], $0x180  }
0xd6: {  	[sflag:s20] =	ssyncset.done $0x0  }
0xd7: {  	[sflag:s20] =	ssyncadd.s32 $0xFFFFFE80  }
0xd8: {  	s15 =	simm.s32 $0x3;
	v1 =	vmov s16;
	_ =	swait.ge [sflag:s31], $0x4000  }
0xd9: {  	v2 =	vmov s15;
	v1 =	vand.u32 $0x7C, v1;
	[sflag:s31] =	ssyncset.done $0x0  }
0xda: {  	v2 =	vand.u32 $0x7F, v2;
	v1 =	vor.u32 $0x100, v1;
	[sflag:s31] =	ssyncadd.s32 $0xFFFFC000  }
0xdb: {  	v2 =	vor.u32 $0x100, v2;
	v1 =	vbroadcast v1, $0x0;
	[tilespmem:s17], [sflag:$0x3] =	stream.indirect.gather [hbm4b:s2+s21], $0x80, s16, s21, $0xb8;
	[tilespmem:$0x1C100] =	vst v63  }
0xdc: {  	v2 =	vbroadcast v2, $0x0  }
0xdd: {  	[tilespmem:s22], [sflag:$0x3] =	stream.indirect.gather [hbm4b:s2+s21], $0x80, s21, s21, $0xb8;
	[tilespmem:$0x1C100] =	vst v63  }
0xde: {  	_ =	swait.ge [sflag:s1], $0x4000  }
0xdf: {  	[sflag:s1] =	ssyncset.done $0x0  }
0xe0: {  	[sflag:s1] =	ssyncadd.s32 $0xFFFFC000  }
0xe1: {  	s16 =	simm.s32 $0x1;
	v3 =	vld.idx.msk [tilespmem:v1+s19+$0x0], $0xffff  }
0xe2: {  	s12 =	simm.s32 $0x4500;
	v4 =	vmov s16;
	v1 =	vld.idx.msk [tilespmem:v2+s19+$0x0], $0xffff  }
0xe3: {  	v2 =	vand.u32 $0x7D, v4;
	v4 =	vld [tilespmem:s12+$0xF0]  }
0xe4: {  	v5 =	vld [tilespmem:s12+$0xFFFFFF00]  }
0xe5: {  	v6 =	vld [tilespmem:s12+$0xFFFFFF10]  }
0xe6: {  	v7 =	vld [tilespmem:s12+$0xFFFFFF20];
	v2 =	vor.u32 $0x100, v2  }
0xe7: {  	v8 =	vld [tilespmem:s12+$0xFFFFFF30];
	v2 =	vbroadcast v2, $0x0  }
0xe8: {  	v9 =	vld [tilespmem:s12+$0xFFFFFF40]  }
0xe9: {  	v10 =	vld [tilespmem:s12+$0xFFFFFF50];
	v5 =	vmul.f32 v3, v5  }
0xea: {  	v11 =	vld [tilespmem:s12+$0xFFFFFF60];
	v4 =	vmul.f32 v1, v4  }
0xeb: {  	[tilespmem:s12+$0xFFFFFF00] =	vst v5;
	v5 =	vld [tilespmem:s12+$0xFFFFFF70]  }
0xec: {  	s15 =	simm.s32 $0x2;
	v6 =	vmul.f32 v3, v6;
	[tilespmem:s12+$0xF0] =	vst v4;
	v4 =	vmul.f32 v3, v7;
	v7 =	vld [tilespmem:s12+$0xFFFFFF90]  }
0xed: {  	v12 =	vmov s15;
	v13 =	vld.idx.msk [tilespmem:v2+s19+$0x0], $0xffff  }
0xee: {  	[tilespmem:s12+$0xFFFFFF10] =	vst v6;
	v6 =	vmul.f32 v3, v8;
	v2 =	vand.u32 $0x7E, v12;
	v12 =	vld [tilespmem:s12+$0xFFFFFF80]  }
0xef: {  	v11 =	vmul.f32 v3, v11;
	v8 =	vld [tilespmem:s12+$0xFFFFFFA0];
	v2 =	vor.u32 $0x100, v2;
	[tilespmem:s12+$0xFFFFFF20] =	vst v4;
	v4 =	vmul.f32 v3, v9  }
0xf0: {  	v9 =	vld [tilespmem:s12+$0xFFFFFFB0];
	[tilespmem:s12+$0xFFFFFF30] =	vst v6;
	v6 =	vmul.f32 v3, v10;
	v2 =	vbroadcast v2, $0x0  }
0xf1: {  	[tilespmem:s12+$0xFFFFFF60] =	vst v11;
	v10 =	vld [tilespmem:s12+$0xFFFFFFC0]  }
0xf2: {  	[tilespmem:s12+$0xFFFFFF50] =	vst v6;
	v6 =	vld [tilespmem:s12+$0xFFFFFFE0];
	v3 =	vmul.f32 v3, v5  }
0xf3: {  	[tilespmem:s12+$0xFFFFFF40] =	vst v4;
	v5 =	vld [tilespmem:s12+$0xFFFFFFF0];
	v4 =	vmul.f32 v13, v12  }
0xf4: {  	v12 =	vld [tilespmem:s12+$0xFFFFFFD0];
	[tilespmem:s12+$0xFFFFFF70] =	vst v3;
	v3 =	vmul.f32 v13, v8  }
0xf5: {  	[tilespmem:s12+$0xFFFFFF80] =	vst v4;
	v4 =	vmul.f32 v13, v7;
	v7 =	vld [tilespmem:s12+$0x0]  }
0xf6: {  	v2 =	vld.idx.msk [tilespmem:v2+s19+$0x0], $0xffff;
	[tilespmem:s12+$0xFFFFFFA0] =	vst v3;
	v3 =	vmul.f32 v13, v10  }
0xf7: {  	v8 =	vld [tilespmem:s12+$0x10];
	[tilespmem:s12+$0xFFFFFF90] =	vst v4;
	v4 =	vmul.f32 v13, v9  }
0xf8: {  	s16 =	simm.s32 $0x4;
	v6 =	vmul.f32 v13, v6;
	v9 =	vld [tilespmem:s12+$0x20];
	[tilespmem:s12+$0xFFFFFFC0] =	vst v3  }
0xf9: {  	v11 =	vmov s16;
	v10 =	vld [tilespmem:s12+$0x30];
	[tilespmem:s12+$0xFFFFFFB0] =	vst v4;
	v4 =	vmul.f32 v13, v12  }
0xfa: {  	v11 =	vand.u32 $0x7C, v11;
	v3 =	vld [tilespmem:s12+$0x40];
	[tilespmem:s12+$0xFFFFFFE0] =	vst v6;
	v12 =	vmul.f32 v13, v5  }
0xfb: {  	s15 =	simm.s32 $0x5;
	s16 =	simm.s32 $0x6;
	v6 =	vor.u32 $0x100, v11;
	[tilespmem:s12+$0xFFFFFFD0] =	vst v4;
	v7 =	vmul.f32 v2, v7;
	v4 =	vld [tilespmem:s12+$0x50]  }
0xfc: {  	v11 =	vmov s16;
	v13 =	vmov s15;
	v5 =	vld [tilespmem:s12+$0x60];
	v8 =	vmul.f32 v2, v8;
	[tilespmem:s12+$0xFFFFFFF0] =	vst v12  }
0xfd: {  	v11 =	vand.u32 $0x7E, v11;
	v12 =	vand.u32 $0x7D, v13;
	v9 =	vmul.f32 v2, v9;
	[tilespmem:s12+$0x0] =	vst v7;
	v7 =	vld [tilespmem:s12+$0x70]  }
0xfe: {  	s7 =	simm.s32 $0x7;
	s16 =	simm.s32 $0x8;
	v6 =	vbroadcast v6, $0x0;
	s15 =	simm.s32 $0x4500;
	v10 =	vmul.f32 v2, v10;
	v12 =	vor.u32 $0x100, v12;
	[tilespmem:s12+$0x10] =	vst v8;
	v8 =	vld [tilespmem:s12+$0x80]  }
.LBB2_7:
0xff: {  	p0 =	slt.u32 s16, $0x7C;
	v11 =	vor.u32 $0x100, v11;
	v13 =	vmov s7;
	[tilespmem:s12+$0x20] =	vst v9;
	v3 =	vmul.f32 v2, v3;
	v9 =	vld [tilespmem:s12+$0x90]  }
0x100: {  	v12 =	vbroadcast v12, $0x0;
	v13 =	vand.u32 $0x7F, v13;
	[tilespmem:s12+$0x30] =	vst v10;
	v4 =	vmul.f32 v2, v4;
	v10 =	vld [tilespmem:s12+$0xA0]  }
0x101: {  	v11 =	vbroadcast v11, $0x0;
	v13 =	vor.u32 $0x100, v13;
	[tilespmem:s12+$0x40] =	vst v3;
	v3 =	vmul.f32 v2, v5;
	v5 =	vld [tilespmem:s12+$0xB0]  }
0x102: {  	v13 =	vbroadcast v13, $0x0;
	[tilespmem:s12+$0x50] =	vst v4;
	v2 =	vmul.f32 v2, v7;
	v4 =	vld [tilespmem:s12+$0xC0]  }
0x103: {  	[tilespmem:s12+$0x60] =	vst v3;
	v3 =	vmul.f32 v1, v8;
	v7 =	vld [tilespmem:s12+$0xD0]  }
0x104: {  	[tilespmem:s12+$0x70] =	vst v2;
	v2 =	vmul.f32 v1, v9;
	v8 =	vld [tilespmem:s12+$0xE0]  }
0x105: {  	v6 =	vld.idx.msk [tilespmem:v6+s19+$0x0], $0xffff;
	[tilespmem:s12+$0x80] =	vst v3;
	v3 =	vmul.f32 v1, v10  }
0x106: {  	v9 =	vld.idx.msk [tilespmem:v12+s19+$0x0], $0xffff;
	[tilespmem:s12+$0x90] =	vst v2;
	v5 =	vmul.f32 v1, v5  }
0x107: {  	v2 =	vld.idx.msk [tilespmem:v11+s19+$0x0], $0xffff;
	[tilespmem:s12+$0xA0] =	vst v3;
	v3 =	vmul.f32 v1, v4  }
0x108: {  	s12 =	sadd.s32 $0x200, s12;
	v4 =	vld.idx.msk [tilespmem:v13+s19+$0x0], $0xffff;
	[tilespmem:s15+$0xB0] =	vst v5;
	v5 =	vmul.f32 v1, v7  }
0x109: {  	v7 =	vld [tilespmem:s12+$0xF0];
	[tilespmem:s15+$0xC0] =	vst v3;
	v1 =	vmul.f32 v1, v8  }
0x10a: {  	v3 =	vld [tilespmem:s12+$0xFFFFFF00];
	[tilespmem:s15+$0xD0] =	vst v5  }
0x10b: {  	v5 =	vld [tilespmem:s12+$0xFFFFFF10];
	[tilespmem:s15+$0xE0] =	vst v1;
	s15 =	smov.u32 s12  }
0x10c: {  	v8 =	vld [tilespmem:s12+$0xFFFFFF20]  }
0x10d: {  	v10 =	vld [tilespmem:s12+$0xFFFFFF30]  }
0x10e: {  	v1 =	vmov v4;
	v11 =	vld [tilespmem:s12+$0xFFFFFF40];
	v7 =	vmul.f32 v4, v7  }
0x10f: {  	v3 =	vmul.f32 v6, v3;
	v4 =	vld [tilespmem:s12+$0xFFFFFF50]  }
0x110: {  	v5 =	vmul.f32 v6, v5;
	v12 =	vld [tilespmem:s12+$0xFFFFFF60];
	[tilespmem:s12+$0xF0] =	vst v7  }
0x111: {  	[tilespmem:s12+$0xFFFFFF00] =	vst v3;
	v3 =	vmul.f32 v6, v8;
	v7 =	vld [tilespmem:s12+$0xFFFFFF70]  }
0x112: {  	[tilespmem:s12+$0xFFFFFF10] =	vst v5;
	v5 =	vmul.f32 v6, v10;
	v8 =	vld [tilespmem:s12+$0xFFFFFF80]  }
0x113: {  	[tilespmem:s12+$0xFFFFFF20] =	vst v3;
	v3 =	vmul.f32 v6, v11;
	v10 =	vld [tilespmem:s12+$0xFFFFFF90]  }
0x114: {  	[tilespmem:s12+$0xFFFFFF30] =	vst v5;
	v4 =	vmul.f32 v6, v4;
	v5 =	vld [tilespmem:s12+$0xFFFFFFA0]  }
0x115: {  	[tilespmem:s12+$0xFFFFFF40] =	vst v3;
	v3 =	vmul.f32 v6, v12;
	v11 =	vld [tilespmem:s12+$0xFFFFFFB0]  }
0x116: {  	[tilespmem:s12+$0xFFFFFF50] =	vst v4;
	v4 =	vmul.f32 v6, v7;
	v6 =	vld [tilespmem:s12+$0xFFFFFFC0]  }
0x117: {  	[tilespmem:s12+$0xFFFFFF60] =	vst v3;
	v3 =	vmul.f32 v9, v8;
	v7 =	vld [tilespmem:s12+$0xFFFFFFD0]  }
0x118: {  	[tilespmem:s12+$0xFFFFFF70] =	vst v4;
	v4 =	vmul.f32 v9, v10;
	v8 =	vld [tilespmem:s12+$0xFFFFFFE0]  }
0x119: {  	[tilespmem:s12+$0xFFFFFF80] =	vst v3;
	v3 =	vmul.f32 v9, v5;
	v5 =	vld [tilespmem:s12+$0xFFFFFFF0]  }
0x11a: {  	[tilespmem:s12+$0xFFFFFF90] =	vst v4;
	v4 =	vmul.f32 v9, v11;
	v10 =	vld [tilespmem:s12+$0x0]  }
0x11b: {  	[tilespmem:s12+$0xFFFFFFA0] =	vst v3;
	v3 =	vmul.f32 v9, v6;
	v6 =	vld [tilespmem:s12+$0x10]  }
0x11c: {  	[tilespmem:s12+$0xFFFFFFB0] =	vst v4;
	v4 =	vmul.f32 v9, v7;
	v7 =	vld [tilespmem:s12+$0x20]  }
0x11d: {  	[tilespmem:s12+$0xFFFFFFC0] =	vst v3;
	v8 =	vmul.f32 v9, v8;
	v13 =	vld [tilespmem:s12+$0x30]  }
.Ltmp2:
0x11e: {  	s7 =	sadd.s32 $0x1, s16;
	v11 =	vmov s16;
	[tilespmem:s12+$0xFFFFFFD0] =	vst v4;
	v5 =	vmul.f32 v9, v5;
	v3 =	vld [tilespmem:s12+$0x40];
	(pc) =	sbr.rel @p0 .LBB2_7-.Ltmp2, $4  }
0x11f: {  	v9 =	vand.u32 $0x7C, v11;
	v11 =	vmov s7;
	s7 =	sadd.s32 $0x2, s16;
	[tilespmem:s12+$0xFFFFFFE0] =	vst v8;
	v8 =	vmul.f32 v2, v10;
	v4 =	vld [tilespmem:s12+$0x50]  }
0x120: {  	v10 =	vor.u32 $0x100, v9;
	v9 =	vmov s7;
	[tilespmem:s12+$0xFFFFFFF0] =	vst v5;
	v14 =	vmul.f32 v2, v6;
	v5 =	vld [tilespmem:s12+$0x60]  }
0x121: {  	v12 =	vand.u32 $0x7D, v11;
	v11 =	vand.u32 $0x7E, v9;
	[tilespmem:s12+$0x0] =	vst v8;
	v9 =	vmul.f32 v2, v7;
	v7 =	vld [tilespmem:s12+$0x70]  }
0x122: {  	s7 =	sadd.s32 $0x3, s16;
	s16 =	sadd.s32 $0x4, s16;
	v6 =	vbroadcast v10, $0x0;
	v12 =	vor.u32 $0x100, v12;
	[tilespmem:s12+$0x10] =	vst v14;
	v10 =	vmul.f32 v2, v13;
	v8 =	vld [tilespmem:s12+$0x80]  }
0x123: {  	v14 =	vld [tilespmem:s12+$0x90]  }
0x124: {  	v15 =	vld [tilespmem:s12+$0xA0]  }
0x125: {  	v16 =	vld [tilespmem:s12+$0xB0]  }
0x126: {  	v17 =	vld [tilespmem:s12+$0xC0];
	v3 =	vmul.f32 v2, v3  }
0x127: {  	v13 =	vmov s7;
	[tilespmem:s12+$0x20] =	vst v9;
	v30 =	vld [tilespmem:s12+$0xD0]  }
0x128: {  	v31 =	vld [tilespmem:s12+$0xE0];
	v13 =	vand.u32 $0x7F, v13;
	[tilespmem:s12+$0x40] =	vst v3;
	v3 =	vmul.f32 v2, v5  }
0x129: {  	s16 =	sadd.s32 $0x200, s12;
	[tilespmem:s12+$0x30] =	vst v10;
	v4 =	vmul.f32 v2, v4;
	v32 =	vld.idx.msk [tilespmem:v6+s19+$0x0], $0xffff;
	v13 =	vor.u32 $0x100, v13;
	v2 =	vmul.f32 v2, v7  }
0x12a: {  	v36 =	vld [tilespmem:s16+$0xF0];
	v13 =	vbroadcast v13, $0x0;
	[tilespmem:s12+$0x60] =	vst v3;
	v3 =	vmul.f32 v1, v8  }
0x12b: {  	v37 =	vld [tilespmem:s16+$0xFFFFFF00];
	[tilespmem:s12+$0x70] =	vst v2;
	v2 =	vmul.f32 v1, v14  }
0x12c: {  	v38 =	vld [tilespmem:s16+$0xFFFFFF10];
	[tilespmem:s12+$0x80] =	vst v3;
	v3 =	vmul.f32 v1, v15  }
0x12d: {  	v39 =	vld [tilespmem:s16+$0xFFFFFF20];
	[tilespmem:s12+$0x90] =	vst v2;
	v2 =	vmul.f32 v1, v16  }
0x12e: {  	v40 =	vld [tilespmem:s16+$0xFFFFFF50];
	[tilespmem:s12+$0xA0] =	vst v3;
	v3 =	vmul.f32 v1, v17  }
0x12f: {  	v42 =	vld [tilespmem:s16+$0xFFFFFF60];
	[tilespmem:s15+$0xB0] =	vst v2;
	v2 =	vmul.f32 v1, v30  }
0x130: {  	v12 =	vbroadcast v12, $0x0;
	v35 =	vld.idx.msk [tilespmem:v13+s19+$0x0], $0xffff;
	v1 =	vmul.f32 v1, v31;
	[tilespmem:s15+$0xC0] =	vst v3  }
0x131: {  	v3 =	vld [tilespmem:s16+$0xFFFFFF30];
	[tilespmem:s15+$0xD0] =	vst v2  }
0x132: {  	v2 =	vld [tilespmem:s16+$0xFFFFFF40];
	[tilespmem:s15+$0xE0] =	vst v1;
	v1 =	vmul.f32 v32, v37  }
0x133: {  	v43 =	vld [tilespmem:s16+$0xFFFFFF70];
	[tilespmem:s12+$0x50] =	vst v4;
	v41 =	vmul.f32 v32, v38  }
0x134: {  	v44 =	vld [tilespmem:s16+$0xFFFFFF80];
	[tilespmem:s16+$0xFFFFFF00] =	vst v1;
	v1 =	vmul.f32 v32, v39  }
0x135: {  	v45 =	vld [tilespmem:s16+$0xFFFFFFA0];
	[tilespmem:s16+$0xFFFFFF10] =	vst v41;
	v8 =	vmul.f32 v35, v36  }
0x136: {  	v33 =	vld.idx.msk [tilespmem:v12+s19+$0x0], $0xffff;
	v3 =	vmul.f32 v32, v3;
	[tilespmem:s16+$0xFFFFFF20] =	vst v1  }
0x137: {  	v11 =	vor.u32 $0x100, v11;
	[tilespmem:s16+$0xF0] =	vst v8;
	v1 =	vmul.f32 v32, v2;
	v2 =	vld [tilespmem:s16+$0xFFFFFF90]  }
0x138: {  	v11 =	vbroadcast v11, $0x0;
	v46 =	vld [tilespmem:s16+$0xFFFFFFB0];
	[tilespmem:s16+$0xFFFFFF30] =	vst v3;
	v3 =	vmul.f32 v32, v40  }
0x139: {  	v47 =	vld [tilespmem:s16+$0xFFFFFFC0];
	[tilespmem:s16+$0xFFFFFF40] =	vst v1;
	v1 =	vmul.f32 v32, v42  }
0x13a: {  	v48 =	vld [tilespmem:s16+$0xFFFFFFD0];
	[tilespmem:s16+$0xFFFFFF50] =	vst v3;
	v3 =	vmul.f32 v32, v43  }
0x13b: {  	v49 =	vld [tilespmem:s16+$0xFFFFFFF0];
	[tilespmem:s16+$0xFFFFFF60] =	vst v1;
	v1 =	vmul.f32 v33, v44  }
0x13c: {  	[tilespmem:s16+$0xFFFFFF70] =	vst v3;
	v2 =	vmul.f32 v33, v2;
	v3 =	vld [tilespmem:s16+$0xFFFFFFE0]  }
0x13d: {  	v50 =	vld [tilespmem:s16+$0x0];
	[tilespmem:s16+$0xFFFFFF80] =	vst v1;
	v1 =	vmul.f32 v33, v45  }
0x13e: {  	v34 =	vld.idx.msk [tilespmem:v11+s19+$0x0], $0xffff;
	[tilespmem:s16+$0xFFFFFF90] =	vst v2;
	v2 =	vmul.f32 v33, v46  }
0x13f: {  	v51 =	vld [tilespmem:s16+$0x10];
	[tilespmem:s16+$0xFFFFFFA0] =	vst v1;
	v1 =	vmul.f32 v33, v47  }
0x140: {  	v52 =	vld [tilespmem:s16+$0x20];
	[tilespmem:s16+$0xFFFFFFB0] =	vst v2;
	v2 =	vmul.f32 v33, v48  }
0x141: {  	[tilespmem:s16+$0xFFFFFFC0] =	vst v1;
	v1 =	vmul.f32 v33, v3;
	v3 =	vld [tilespmem:s16+$0x30]  }
0x142: {  	v53 =	vld [tilespmem:s16+$0x40];
	[tilespmem:s16+$0xFFFFFFD0] =	vst v2;
	v2 =	vmul.f32 v33, v49  }
0x143: {  	v54 =	vld [tilespmem:s16+$0x50];
	[tilespmem:s16+$0xFFFFFFE0] =	vst v1;
	v1 =	vmul.f32 v34, v50  }
0x144: {  	v55 =	vld [tilespmem:s16+$0x60];
	[tilespmem:s16+$0xFFFFFFF0] =	vst v2;
	v2 =	vmul.f32 v34, v51  }
0x145: {  	v56 =	vld [tilespmem:s16+$0x70];
	[tilespmem:s16+$0x0] =	vst v1;
	v1 =	vmul.f32 v34, v52  }
0x146: {  	[tilespmem:s16+$0x10] =	vst v2;
	v2 =	vmul.f32 v34, v3;
	v3 =	vld [tilespmem:s16+$0x80]  }
0x147: {  	v57 =	vld [tilespmem:s16+$0x90];
	[tilespmem:s16+$0x20] =	vst v1;
	v1 =	vmul.f32 v34, v53  }
0x148: {  	v58 =	vld [tilespmem:s16+$0xA0];
	[tilespmem:s16+$0x30] =	vst v2;
	v2 =	vmul.f32 v34, v54  }
0x149: {  	v59 =	vld [tilespmem:s16+$0xB0];
	[tilespmem:s16+$0x40] =	vst v1;
	v1 =	vmul.f32 v34, v55  }
0x14a: {  	v60 =	vld [tilespmem:s16+$0xC0];
	[tilespmem:s16+$0x50] =	vst v2;
	v2 =	vmul.f32 v34, v56  }
0x14b: {  	[tilespmem:s16+$0x60] =	vst v1;
	v1 =	vmul.f32 v35, v3;
	v3 =	vld [tilespmem:s16+$0xD0]  }
0x14c: {  	v61 =	vld [tilespmem:s16+$0xE0];
	[tilespmem:s16+$0x70] =	vst v2;
	v2 =	vmul.f32 v35, v57  }
0x14d: {  	[tilespmem:s16+$0x80] =	vst v1;
	v1 =	vmul.f32 v35, v58  }
0x14e: {  	[tilespmem:s16+$0x90] =	vst v2;
	v2 =	vmul.f32 v35, v59  }
0x14f: {  	[tilespmem:s16+$0xA0] =	vst v1;
	v1 =	vmul.f32 v35, v60  }
0x150: {  	[tilespmem:s16+$0xB0] =	vst v2;
	v2 =	vmul.f32 v35, v3  }
0x151: {  	[tilespmem:s16+$0xC0] =	vst v1;
	v1 =	vmul.f32 v35, v61  }
0x152: {  	[tilespmem:s16+$0xD0] =	vst v2  }
0x153: {  	[tilespmem:s16+$0xE0] =	vst v1  }
0x154: {  	v1 =	vld [tilespmem:$0x280]  }
0x155: {  	v2 =	vld [tilespmem:$0x290]  }
0x156: {  	v3 =	vld [tilespmem:$0x2A0]  }
0x157: {  	v62 =	vld [tilespmem:$0x2B0]  }
0x158: {  	v63 =	vld [tilespmem:$0x2C0]  }
0x159: {  	[tilespmem:$0x8480] =	vst v1;
	v1 =	vld [tilespmem:$0x2D0]  }
0x15a: {  	[tilespmem:$0x8490] =	vst v2;
	v2 =	vld [tilespmem:$0x2E0]  }
0x15b: {  	[tilespmem:$0x84A0] =	vst v3;
	v3 =	vld [tilespmem:$0x2F0]  }
0x15c: {  	[tilespmem:$0x84B0] =	vst v62  }
0x15d: {  	s10 =	sadd.s32 $0x1, s10;
	[tilespmem:$0x84C0] =	vst v63  }
0x15e: {  	p0 =	sne.s32 s10, $0x28;
	[tilespmem:$0x84D0] =	vst v1  }
.Ltmp3:
0x15f: {  	[tilespmem:$0x84E0] =	vst v2;
	(pc) =	sbr.rel @p0 .LBB2_4-.Ltmp3, $4  }
0x160: {  	[tilespmem:$0x84F0] =	vst v3  }
0x161: {  	[spmem:s4] =	stream.indirect.scatter.add.f32 [tilespmem:s24], [sflag:$0x6], $0x80, s0, s29, $0xb8;
	[tilespmem:$0x1C100] =	vst v63  }
0x162: {  	s16 =	sadd.s32 s11, s14  }
0x163: {  	[tilespmem:s19], [sflag:$0x2] =	stream.linear.gather [hbm4b:s16+s5], $0x180, $0x38;
	[tilespmem:$0x1C100] =	vst v63  }
0x164: {  	_ =	swait.ge [sflag:s28], $0x4000  }
0x165: {  	[sflag:s28] =	ssyncset.done $0x0  }
0x166: {  	[sflag:s28] =	ssyncadd.s32 $0xFFFFC000  }
0x167: {  	_ =	swait.ge [sflag:s23], $0x180  }
0x168: {  	[sflag:s23] =	ssyncset.done $0x0  }
0x169: {  	s7 =	simm.s32 $0x6;
	[sflag:s23] =	ssyncadd.s32 $0xFFFFFE80  }
0x16a: {  	_ =	swait.ge [sflag:s7], $0x4000  }
0x16b: {  	[sflag:s7] =	ssyncset.done $0x0  }
0x16c: {  	s15 =	stileid.u32;
	[sflag:s7] =	ssyncadd.s32 $0xFFFFC000  }
0x16d: {  	s7 =	sshll.u32 s15, $0x6;
	[bflag:$0x0] =	sbarrier.arrive $0xFFFF  }
0x16e: {  	s9 =	sshrl.u32 s6, $0x3;
	s7 =	sor.u32 $0x1C07, s7;
	s10 =	rddreg [dreg:$0xa]  }
0x16f: {  	[hbm:s10], [sflag:s7] =	dma.local [spmem:s9], $0x2780  }
0x170: {  	_ =	swait.ge [sflag:s18], $0x2780  }
0x171: {  	s8 =	sadd.s32 $0x1, s8;
	s16 =	rddreg [dreg:$0xb]  }
0x172: {  	p0 =	sne.s32 s8, s16  }
.Ltmp4:
0x173: {  	_ = 	snop;
	(pc) =	sbr.rel @p0 .LBB2_1-.Ltmp4, $3  }
0x174: {  	_ =	sdelay $0x1  }
0x175: {  	[sflag:s18] =	ssyncset.done $0x0  }
0x176: {  	[sflag:s18] =	ssyncadd.s32 $0xFFFFD880  }
0x177: {  	_ =	sfence.sel $0x180000  }
0x178: {  	[bflag:$0x0] =	sbarrier.arrive $0xFFFF  }
0x179: {  	_ =	strace $0x90000047  }
0x17a: {  	s0 =	stileid.u32;
	[bflag:$0x2] =	sbarrier.arrive $0xFFFF  }
0x17b: {  	p0 =	sne.s32 s0, $0x0;
	s0 =	rddreg [dreg:$0x3]  }
0x17c: {  	s0 =	sadd.s32 @!p0 $0x100000, s0  }
0x17d: {  	[sflag:s0] =	ssyncadd.tile.s32 @!p0 $0x1;
	_ =	shalt  }
.Lfunc_end2:
_tile_overlayer_lowered:
.L_overlay_start_2:
0x17e: {  	(tag) =	ssettag $0x2  }
0x17f: {  	s0 =	rddreg [dreg:$0x0];
	s2 =	stileid.u32  }
0x180: {  	s1 =	rddreg [dreg:$0x1];
	p0 =	sne.s32 s2, $0x0  }
0x181: {  	s3 =	rddreg [dreg:$0x2];
	[bflag:$0x3] =	sbarrier.arrive $0xFFFF;
	s2 =	simm.s32 @!p0 $0x1C07  }
0x182: {  	[timem:s3], [sflag:s2] =	dma.local @!p0 [hbm:s0], s1  }
0x183: {  	s0 =	simm.s32 @!p0 $0x7  }
0x184: {  	_ =	swait.ge @!p0 [sflag:s0], s1  }
0x185: {  	s1 =	ssub.s32 @!p0 $0x0, s1;
	[sflag:s0] =	ssyncset.done @!p0 $0x0  }
0x186: {  	[sflag:s0] =	ssyncadd.s32 @!p0 s1  }
0x187: {  	[bflag:$0x3] =	sbarrier.arrive $0xFFFF  }
0x188: {  	_ =	shalt  }

</sc_bundles>
